<compile_context>
chip_gen: v7x
topology: tpu7x:2x2x1
jax: 0.10.2.dev20260603
libtpu: 0.0.44.dev20260713+nightly
codegen_flags: <defaults>
</compile_context>

<pallas_src>
import math

import jax
import jax.numpy as jnp
from jax import lax
from jax.experimental import pallas as pl
from jax.experimental.pallas import tpu as pltpu
from jax.experimental.pallas import tpu_sc as plsc

NC, NS, L = 2, 16, 16
NW = NC * NS
B, S, D = 4096, 200, 64
SEQ_PER_W = B // NW
G = D // L


def _pos_encoding():
    position = jnp.arange(0, S, dtype=jnp.float32)[:, None]
    div_term = jnp.exp(
        jnp.arange(0, D, 2, dtype=jnp.float32) * -(math.log(10000.0) / D))
    ang = position * div_term
    pe = jnp.zeros((S, D), dtype=jnp.float32)
    pe = pe.at[:, 0::2].set(jnp.sin(ang))
    pe = pe.at[:, 1::2].set(jnp.cos(ang))
    return pe


def _embed_body(ids_hbm, table_hbm, pos_hbm, out_hbm, idx_v, pos_v,
                buf0, buf1, sem, osem):
    wid = lax.axis_index("s") * NC + lax.axis_index("c")
    base_seq = wid * SEQ_PER_W
    pltpu.sync_copy(ids_hbm.at[wid], idx_v)
    pltpu.sync_copy(pos_hbm, pos_v)

    bufs = [buf0, buf1]

    def gather(p, b):
        pltpu.async_copy(table_hbm.at[idx_v.at[p]], bufs[b], sem)

    gather(0, 0)

    @pl.loop(0, S // 2)
    def _lap(lap):
        for h in range(2):
            p = lap * 2 + h
            pltpu.make_async_copy(
                table_hbm.at[idx_v.at[p]], bufs[h], sem).wait()

            @pl.when(p >= 1)
            def _():
                pltpu.make_async_copy(
                    bufs[1 - h], out_hbm.at[pl.ds(base_seq, SEQ_PER_W), p],
                    osem).wait()

            @pl.when(p + 1 < S)
            def _():
                gather(p + 1, 1 - h)

            pvals = [pos_v[p, pl.ds(g * L, L)] for g in range(G)]

            @pl.loop(0, SEQ_PER_W, unroll=8)
            def _row(r):
                for g in range(G):
                    bufs[h][r, pl.ds(g * L, L)] = (
                        bufs[h][r, pl.ds(g * L, L)] + pvals[g])

            pltpu.async_copy(
                bufs[h], out_hbm.at[pl.ds(base_seq, SEQ_PER_W), p], osem)

    pltpu.make_async_copy(
        bufs[1], out_hbm.at[pl.ds(base_seq, SEQ_PER_W), 0], osem).wait()


def kernel(input_ids, token_embedding_weight):
    ids_t = input_ids.reshape(NW, SEQ_PER_W, S).transpose(0, 2, 1)
    pos = _pos_encoding()
    mesh = plsc.VectorSubcoreMesh(
        core_axis_name="c", subcore_axis_name="s",
        num_cores=NC, num_subcores=NS)
    f = pl.kernel(
        _embed_body,
        out_type=jax.ShapeDtypeStruct((B, S, D), jnp.float32),
        mesh=mesh,
        scratch_types=[
            pltpu.VMEM((S, SEQ_PER_W), jnp.int32),
            pltpu.VMEM((S, D), jnp.float32),
            pltpu.VMEM((SEQ_PER_W, D), jnp.float32),
            pltpu.VMEM((SEQ_PER_W, D), jnp.float32),
            pltpu.SemaphoreType.DMA,
            pltpu.SemaphoreType.DMA,
        ],
        compiler_params=pltpu.CompilerParams(use_tc_tiling_on_sc=False),
    )
    return f(ids_t, token_embedding_weight, pos)

# --- scband reference (transcript-rebuilt; emitter-appended) ---
"""Pipeline reference for scband-token-embed-88613765251263 (READ-ONLY COPY).

The authoritative reference and input builder live on the scoring server;
editing this copy changes nothing except your own understanding.
"""

import jax, jax.numpy as jnp
import numpy as np
import math


def get_sinusoid_encoding(n_position, d_model):
    position = jnp.arange(0, n_position, dtype=jnp.float32)[:, None]
    div_term = jnp.exp(jnp.arange(0, d_model, 2, dtype=jnp.float32) * -(math.log(10000.0) / d_model))
    ang = position * div_term
    pe = jnp.zeros((n_position, d_model), dtype=jnp.float32)
    pe = pe.at[:, 0::2].set(jnp.sin(ang))
    pe = pe.at[:, 1::2].set(jnp.cos(ang))
    return pe


def setup_inputs(seed: int = 0) -> dict:
    key = jax.random.key(seed)
    k1, k2 = jax.random.split(key)
    vocab_size = 1000000
    embed_dim = 64
    batch = 4096
    seq_len = 200
    input_ids = jax.random.randint(k1, (batch, seq_len), 0, vocab_size, dtype=jnp.int64 if jax.config.jax_enable_x64 else jnp.int32)
    token_embedding_weight = jax.random.normal(k2, (vocab_size, embed_dim), dtype=jnp.float32)
    return {"input_ids": input_ids, "token_embedding_weight": token_embedding_weight}


def reference(input_ids, token_embedding_weight):
    # gather: embedding lookup
    x = jnp.take(token_embedding_weight, input_ids, axis=0)
    pos_embed = get_sinusoid_encoding(x.shape[1], x.shape[2])
    x = x + pos_embed[None, :, :]
    return x

if __name__ == "__main__":
    import jax
    _d = setup_inputs()
    print(jax.jit(kernel)(*tuple(_d.values())))

</pallas_src>

<mosaic_0001>
#map = affine_map<(d0, d1) -> (0, 0, 0)>
#map1 = affine_map<(d0, d1) -> (0, 0)>
module attributes {stable_mosaic.version = 14 : i64} {
  func.func @_embed_body(%arg0: i32, %arg1: i32, %arg2: memref<32x200x128xi32, #tpu.memory_space<hbm>>, %arg3: memref<1000000x64xf32, #tpu.memory_space<hbm>>, %arg4: memref<200x64xf32, #tpu.memory_space<hbm>>, %arg5: memref<4096x200x64xf32, #tpu.memory_space<hbm>>, %arg6: memref<200x128xi32, #tpu.memory_space<vmem>>, %arg7: memref<200x64xf32, #tpu.memory_space<vmem>>, %arg8: memref<128x64xf32, #tpu.memory_space<vmem>>, %arg9: memref<128x64xf32, #tpu.memory_space<vmem>>, %arg10: memref<!tpu.dma_semaphore, #tpu.memory_space<semaphore_mem>>, %arg11: memref<!tpu.dma_semaphore, #tpu.memory_space<semaphore_mem>>) attributes {dimension_semantics = [#tpu.dimension_semantics<core_parallel>, #tpu.dimension_semantics<subcore_parallel>], iteration_bounds = array<i64: 2, 16>, scalar_prefetch = 0 : i64, scratch_operands = 6 : i64, tpu.core_type = #tpu.core_type<sc_vector_subcore>, window_params = [{transform_indices = #map}, {transform_indices = #map1}, {transform_indices = #map1}, {transform_indices = #map}]} {
    %mul3A = arith.constant 2 : i32
    %mul3A_0 = arith.muli %arg1, %mul3A : i32
    %add3A = arith.addi %mul3A_0, %arg0 : i32
    %mul3A_1 = arith.constant 128 : i32
    %mul3A_2 = arith.muli %add3A, %mul3A_1 : i32
    "tpu.region"() ({
      %run_scoped3A = tpu.sem_alloc : memref<!tpu.dma_semaphore, #tpu.memory_space<semaphore_mem>>
      %dma_start3A_19 = arith.constant 0 : i32
      %dma_start3A_20 = arith.constant 0 : i32
      %dma_start3A_21 = tpu.memref_slice %arg2[%add3A, %dma_start3A_19, %dma_start3A_20] : memref<32x200x128xi32, #tpu.memory_space<hbm>> -> memref<1x200x128xi32, #tpu.memory_space<hbm>>
      %dma_start3A_22 = tpu.memref_squeeze %dma_start3A_21 : memref<1x200x128xi32, #tpu.memory_space<hbm>> -> memref<200x128xi32, #tpu.memory_space<hbm>>
      %dma_start3A_23 = arith.constant 0 : i32
      %dma_start3A_24 = arith.constant 0 : i32
      %dma_start3A_25 = tpu.memref_slice %arg2[%add3A, %dma_start3A_23, %dma_start3A_24] : memref<32x200x128xi32, #tpu.memory_space<hbm>> -> memref<1x200x128xi32, #tpu.memory_space<hbm>>
      %dma_start3A_26 = tpu.memref_squeeze %dma_start3A_25 : memref<1x200x128xi32, #tpu.memory_space<hbm>> -> memref<200x128xi32, #tpu.memory_space<hbm>>
      tpu.enqueue_dma source(%dma_start3A_26 : memref<200x128xi32, #tpu.memory_space<hbm>>) target(%arg6 : memref<200x128xi32, #tpu.memory_space<vmem>>) target_semaphore(%run_scoped3A : memref<!tpu.dma_semaphore, #tpu.memory_space<semaphore_mem>>)
      %dma_wait3A_27 = arith.constant 0 : i32
      %dma_wait3A_28 = arith.constant 0 : i32
      %dma_wait3A_29 = tpu.memref_slice %arg2[%add3A, %dma_wait3A_27, %dma_wait3A_28] : memref<32x200x128xi32, #tpu.memory_space<hbm>> -> memref<1x200x128xi32, #tpu.memory_space<hbm>>
      %dma_wait3A_30 = tpu.memref_squeeze %dma_wait3A_29 : memref<1x200x128xi32, #tpu.memory_space<hbm>> -> memref<200x128xi32, #tpu.memory_space<hbm>>
      %dma_wait3A_31 = arith.constant 0 : i32
      %dma_wait3A_32 = arith.constant 0 : i32
      %dma_wait3A_33 = tpu.memref_slice %arg2[%add3A, %dma_wait3A_31, %dma_wait3A_32] : memref<32x200x128xi32, #tpu.memory_space<hbm>> -> memref<1x200x128xi32, #tpu.memory_space<hbm>>
      %dma_wait3A_34 = tpu.memref_squeeze %dma_wait3A_33 : memref<1x200x128xi32, #tpu.memory_space<hbm>> -> memref<200x128xi32, #tpu.memory_space<hbm>>
      tpu.wait_dma2 semaphore(%run_scoped3A : memref<!tpu.dma_semaphore, #tpu.memory_space<semaphore_mem>>) src(%dma_wait3A_34 : memref<200x128xi32, #tpu.memory_space<hbm>>) dst(%arg6 : memref<200x128xi32, #tpu.memory_space<vmem>>)
      tpu.yield
    }) : () -> ()
    "tpu.region"() ({
      %run_scoped3A = tpu.sem_alloc : memref<!tpu.dma_semaphore, #tpu.memory_space<semaphore_mem>>
      tpu.enqueue_dma source(%arg4 : memref<200x64xf32, #tpu.memory_space<hbm>>) target(%arg7 : memref<200x64xf32, #tpu.memory_space<vmem>>) target_semaphore(%run_scoped3A : memref<!tpu.dma_semaphore, #tpu.memory_space<semaphore_mem>>)
      tpu.wait_dma2 semaphore(%run_scoped3A : memref<!tpu.dma_semaphore, #tpu.memory_space<semaphore_mem>>) src(%arg4 : memref<200x64xf32, #tpu.memory_space<hbm>>) dst(%arg7 : memref<200x64xf32, #tpu.memory_space<vmem>>)
      tpu.yield
    }) : () -> ()
    %dma_start3A = arith.constant 0 : i32
    %dma_start3A_3 = arith.constant 0 : i32
    %dma_start3A_4 = tpu.memref_slice %arg6[%dma_start3A, %dma_start3A_3] : memref<200x128xi32, #tpu.memory_space<vmem>> -> memref<1x128xi32, #tpu.memory_space<vmem>>
    %dma_start3A_5 = tpu.memref_squeeze %dma_start3A_4 : memref<1x128xi32, #tpu.memory_space<vmem>> -> memref<128xi32, #tpu.memory_space<vmem>>
    %dma_start3A_6 = arith.constant 0 : i32
    %dma_start3A_7 = arith.constant 0 : i32
    %dma_start3A_8 = tpu.memref_slice %arg3[%dma_start3A_6, %dma_start3A_7] : memref<1000000x64xf32, #tpu.memory_space<hbm>> -> memref<1000000x64xf32, #tpu.memory_space<hbm>>
    tpu.enqueue_indirect_dma source(%dma_start3A_8 : memref<1000000x64xf32, #tpu.memory_space<hbm>>) target(%arg8 : memref<128x64xf32, #tpu.memory_space<vmem>>) offsets(%dma_start3A_5 : memref<128xi32, #tpu.memory_space<vmem>>) semaphore(%arg10 : memref<!tpu.dma_semaphore, #tpu.memory_space<semaphore_mem>>)
    %scan3A = arith.constant 0 : i32
    %scan3A_9 = arith.constant 100 : i32
    %scan3A_10 = arith.addi %scan3A, %scan3A_9 : i32
    %scan3A_11 = arith.constant 1 : i32
    scf.for %scan3A_19 = %scan3A to %scan3A_10 step %scan3A_11  : i32 {
      %mul3A_20 = arith.constant 1 : i32
      %mul3A_21 = arith.muli %scan3A_19, %mul3A_20 : i32
      %add3A_22 = arith.constant 0 : i32
      %add3A_23 = arith.addi %add3A_22, %mul3A_21 : i32
      %mul3A_24 = arith.constant 2 : i32
      %mul3A_25 = arith.muli %add3A_23, %mul3A_24 : i32
      %add3A_26 = arith.constant 0 : i32
      %add3A_27 = arith.addi %mul3A_25, %add3A_26 : i32
      %dma_wait3A_28 = arith.constant 0 : i32
      %dma_wait3A_29 = tpu.memref_slice %arg6[%add3A_27, %dma_wait3A_28] : memref<200x128xi32, #tpu.memory_space<vmem>> -> memref<1x128xi32, #tpu.memory_space<vmem>>
      %dma_wait3A_30 = tpu.memref_squeeze %dma_wait3A_29 : memref<1x128xi32, #tpu.memory_space<vmem>> -> memref<128xi32, #tpu.memory_space<vmem>>
      %dma_wait3A_31 = arith.constant 0 : i32
      %dma_wait3A_32 = arith.constant 0 : i32
      %dma_wait3A_33 = tpu.memref_slice %arg3[%dma_wait3A_31, %dma_wait3A_32] : memref<1000000x64xf32, #tpu.memory_space<hbm>> -> memref<1000000x64xf32, #tpu.memory_space<hbm>>
      tpu.wait_indirect_dma semaphore(%arg10 : memref<!tpu.dma_semaphore, #tpu.memory_space<semaphore_mem>>) src(%dma_wait3A_33 : memref<1000000x64xf32, #tpu.memory_space<hbm>>) dst(%arg8 : memref<128x64xf32, #tpu.memory_space<vmem>>)
      %ge3A = arith.constant 1 : i32
      %ge3A_34 = arith.cmpi sge, %add3A_27, %ge3A : i32
      %convert_element_type3A = arith.extui %ge3A_34 : i1 to i32
      %cond3A = arith.constant 0 : i32
      %cond3A_35 = arith.cmpi ne, %convert_element_type3A, %cond3A : i32
      scf.if %cond3A_35 {
        %dma_wait3A_117 = arith.constant 0 : i32
        %dma_wait3A_118 = tpu.memref_slice %arg5[%mul3A_2, %add3A_27, %dma_wait3A_117] : memref<4096x200x64xf32, #tpu.memory_space<hbm>> -> memref<128x1x64xf32, #tpu.memory_space<hbm>>
        %dma_wait3A_119 = tpu.memref_squeeze %dma_wait3A_118 : memref<128x1x64xf32, #tpu.memory_space<hbm>> -> memref<128x64xf32, #tpu.memory_space<hbm>>
        %dma_wait3A_120 = arith.constant 0 : i32
        %dma_wait3A_121 = tpu.memref_slice %arg5[%mul3A_2, %add3A_27, %dma_wait3A_120] : memref<4096x200x64xf32, #tpu.memory_space<hbm>> -> memref<128x1x64xf32, #tpu.memory_space<hbm>>
        %dma_wait3A_122 = tpu.memref_squeeze %dma_wait3A_121 : memref<128x1x64xf32, #tpu.memory_space<hbm>> -> memref<128x64xf32, #tpu.memory_space<hbm>>
        tpu.wait_dma2 semaphore(%arg11 : memref<!tpu.dma_semaphore, #tpu.memory_space<semaphore_mem>>) src(%arg9 : memref<128x64xf32, #tpu.memory_space<vmem>>) dst(%dma_wait3A_122 : memref<128x64xf32, #tpu.memory_space<hbm>>)
      } else {
      }
      %add3A_36 = arith.constant 1 : i32
      %add3A_37 = arith.addi %add3A_27, %add3A_36 : i32
      %lt3A = arith.constant 200 : i32
      %lt3A_38 = arith.cmpi slt, %add3A_37, %lt3A : i32
      %convert_element_type3A_39 = arith.extui %lt3A_38 : i1 to i32
      %cond3A_40 = arith.constant 0 : i32
      %cond3A_41 = arith.cmpi ne, %convert_element_type3A_39, %cond3A_40 : i32
      scf.if %cond3A_41 {
        %add3A_117 = arith.constant 1 : i32
        %add3A_118 = arith.addi %add3A_27, %add3A_117 : i32
        %dma_start3A_119 = arith.constant 0 : i32
        %dma_start3A_120 = tpu.memref_slice %arg6[%add3A_118, %dma_start3A_119] : memref<200x128xi32, #tpu.memory_space<vmem>> -> memref<1x128xi32, #tpu.memory_space<vmem>>
        %dma_start3A_121 = tpu.memref_squeeze %dma_start3A_120 : memref<1x128xi32, #tpu.memory_space<vmem>> -> memref<128xi32, #tpu.memory_space<vmem>>
        %dma_start3A_122 = arith.constant 0 : i32
        %dma_start3A_123 = arith.constant 0 : i32
        %dma_start3A_124 = tpu.memref_slice %arg3[%dma_start3A_122, %dma_start3A_123] : memref<1000000x64xf32, #tpu.memory_space<hbm>> -> memref<1000000x64xf32, #tpu.memory_space<hbm>>
        tpu.enqueue_indirect_dma source(%dma_start3A_124 : memref<1000000x64xf32, #tpu.memory_space<hbm>>) target(%arg9 : memref<128x64xf32, #tpu.memory_space<vmem>>) offsets(%dma_start3A_121 : memref<128xi32, #tpu.memory_space<vmem>>) semaphore(%arg10 : memref<!tpu.dma_semaphore, #tpu.memory_space<semaphore_mem>>)
      } else {
      }
      %get3A = arith.index_cast %add3A_27 : i32 to index
      %get3A_42 = arith.constant 0 : index
      %get3A_43 = tpu.vector_load %arg7[%get3A, %get3A_42] {strides = array<i32>} : memref<200x64xf32, #tpu.memory_space<vmem>>, vector<1x16xf32>,
      %get3A_44 = vector.shape_cast %get3A_43 : vector<1x16xf32> to vector<16xf32>
      %get3A_45 = arith.index_cast %add3A_27 : i32 to index
      %get3A_46 = arith.constant 16 : index
      %get3A_47 = tpu.vector_load %arg7[%get3A_45, %get3A_46] {strides = array<i32>} : memref<200x64xf32, #tpu.memory_space<vmem>>, vector<1x16xf32>,
      %get3A_48 = vector.shape_cast %get3A_47 : vector<1x16xf32> to vector<16xf32>
      %get3A_49 = arith.index_cast %add3A_27 : i32 to index
      %get3A_50 = arith.constant 32 : index
      %get3A_51 = tpu.vector_load %arg7[%get3A_49, %get3A_50] {strides = array<i32>} : memref<200x64xf32, #tpu.memory_space<vmem>>, vector<1x16xf32>,
      %get3A_52 = vector.shape_cast %get3A_51 : vector<1x16xf32> to vector<16xf32>
      %get3A_53 = arith.index_cast %add3A_27 : i32 to index
      %get3A_54 = arith.constant 48 : index
      %get3A_55 = tpu.vector_load %arg7[%get3A_53, %get3A_54] {strides = array<i32>} : memref<200x64xf32, #tpu.memory_space<vmem>>, vector<1x16xf32>,
      %get3A_56 = vector.shape_cast %get3A_55 : vector<1x16xf32> to vector<16xf32>
      %scan3A_57 = arith.constant 0 : i32
      %scan3A_58 = arith.constant 128 : i32
      %scan3A_59 = arith.addi %scan3A_57, %scan3A_58 : i32
      %scan3A_60 = arith.constant 8 : i32
      scf.for %scan3A_117 = %scan3A_57 to %scan3A_59 step %scan3A_60  : i32 {
        %mul3A_118 = arith.constant 1 : i32
        %mul3A_119 = arith.muli %scan3A_117, %mul3A_118 : i32
        %add3A_120 = arith.constant 0 : i32
        %add3A_121 = arith.addi %add3A_120, %mul3A_119 : i32
        %get3A_122 = arith.index_cast %add3A_121 : i32 to index
        %get3A_123 = arith.constant 0 : index
        %get3A_124 = tpu.vector_load %arg8[%get3A_122, %get3A_123] {strides = array<i32>} : memref<128x64xf32, #tpu.memory_space<vmem>>, vector<1x16xf32>,
        %get3A_125 = vector.shape_cast %get3A_124 : vector<1x16xf32> to vector<16xf32>
        %add3A_126 = arith.addf %get3A_125, %get3A_44 : vector<16xf32>
        %swap3A = arith.index_cast %add3A_121 : i32 to index
        %swap3A_127 = arith.constant 0 : index
        %swap3A_128 = tpu.vector_load %arg8[%swap3A, %swap3A_127] {strides = array<i32>} : memref<128x64xf32, #tpu.memory_space<vmem>>, vector<1x16xf32>,
        %swap3A_129 = vector.shape_cast %swap3A_128 : vector<1x16xf32> to vector<16xf32>
        %swap3A_130 = vector.shape_cast %add3A_126 : vector<16xf32> to vector<1x16xf32>
        tpu.vector_store %arg8[%swap3A, %swap3A_127], %swap3A_130 {strides = array<i32>} : memref<128x64xf32, #tpu.memory_space<vmem>>, vector<1x16xf32>,
        %get3A_131 = arith.index_cast %add3A_121 : i32 to index
        %get3A_132 = arith.constant 16 : index
        %get3A_133 = tpu.vector_load %arg8[%get3A_131, %get3A_132] {strides = array<i32>} : memref<128x64xf32, #tpu.memory_space<vmem>>, vector<1x16xf32>,
        %get3A_134 = vector.shape_cast %get3A_133 : vector<1x16xf32> to vector<16xf32>
        %add3A_135 = arith.addf %get3A_134, %get3A_48 : vector<16xf32>
        %swap3A_136 = arith.index_cast %add3A_121 : i32 to index
        %swap3A_137 = arith.constant 16 : index
        %swap3A_138 = tpu.vector_load %arg8[%swap3A_136, %swap3A_137] {strides = array<i32>} : memref<128x64xf32, #tpu.memory_space<vmem>>, vector<1x16xf32>,
        %swap3A_139 = vector.shape_cast %swap3A_138 : vector<1x16xf32> to vector<16xf32>
        %swap3A_140 = vector.shape_cast %add3A_135 : vector<16xf32> to vector<1x16xf32>
        tpu.vector_store %arg8[%swap3A_136, %swap3A_137], %swap3A_140 {strides = array<i32>} : memref<128x64xf32, #tpu.memory_space<vmem>>, vector<1x16xf32>,
        %get3A_141 = arith.index_cast %add3A_121 : i32 to index
        %get3A_142 = arith.constant 32 : index
        %get3A_143 = tpu.vector_load %arg8[%get3A_141, %get3A_142] {strides = array<i32>} : memref<128x64xf32, #tpu.memory_space<vmem>>, vector<1x16xf32>,
        %get3A_144 = vector.shape_cast %get3A_143 : vector<1x16xf32> to vector<16xf32>
        %add3A_145 = arith.addf %get3A_144, %get3A_52 : vector<16xf32>
        %swap3A_146 = arith.index_cast %add3A_121 : i32 to index
        %swap3A_147 = arith.constant 32 : index
        %swap3A_148 = tpu.vector_load %arg8[%swap3A_146, %swap3A_147] {strides = array<i32>} : memref<128x64xf32, #tpu.memory_space<vmem>>, vector<1x16xf32>,
        %swap3A_149 = vector.shape_cast %swap3A_148 : vector<1x16xf32> to vector<16xf32>
        %swap3A_150 = vector.shape_cast %add3A_145 : vector<16xf32> to vector<1x16xf32>
        tpu.vector_store %arg8[%swap3A_146, %swap3A_147], %swap3A_150 {strides = array<i32>} : memref<128x64xf32, #tpu.memory_space<vmem>>, vector<1x16xf32>,
        %get3A_151 = arith.index_cast %add3A_121 : i32 to index
        %get3A_152 = arith.constant 48 : index
        %get3A_153 = tpu.vector_load %arg8[%get3A_151, %get3A_152] {strides = array<i32>} : memref<128x64xf32, #tpu.memory_space<vmem>>, vector<1x16xf32>,
        %get3A_154 = vector.shape_cast %get3A_153 : vector<1x16xf32> to vector<16xf32>
        %add3A_155 = arith.addf %get3A_154, %get3A_56 : vector<16xf32>
        %swap3A_156 = arith.index_cast %add3A_121 : i32 to index
        %swap3A_157 = arith.constant 48 : index
        %swap3A_158 = tpu.vector_load %arg8[%swap3A_156, %swap3A_157] {strides = array<i32>} : memref<128x64xf32, #tpu.memory_space<vmem>>, vector<1x16xf32>,
        %swap3A_159 = vector.shape_cast %swap3A_158 : vector<1x16xf32> to vector<16xf32>
        %swap3A_160 = vector.shape_cast %add3A_155 : vector<16xf32> to vector<1x16xf32>
        tpu.vector_store %arg8[%swap3A_156, %swap3A_157], %swap3A_160 {strides = array<i32>} : memref<128x64xf32, #tpu.memory_space<vmem>>, vector<1x16xf32>,
        %scan3A_161 = arith.constant 1 : i32
        %scan3A_162 = arith.addi %scan3A_117, %scan3A_161 : i32
        %mul3A_163 = arith.constant 1 : i32
        %mul3A_164 = arith.muli %scan3A_162, %mul3A_163 : i32
        %add3A_165 = arith.constant 0 : i32
        %add3A_166 = arith.addi %add3A_165, %mul3A_164 : i32
        %get3A_167 = arith.index_cast %add3A_166 : i32 to index
        %get3A_168 = arith.constant 0 : index
        %get3A_169 = tpu.vector_load %arg8[%get3A_167, %get3A_168] {strides = array<i32>} : memref<128x64xf32, #tpu.memory_space<vmem>>, vector<1x16xf32>,
        %get3A_170 = vector.shape_cast %get3A_169 : vector<1x16xf32> to vector<16xf32>
        %add3A_171 = arith.addf %get3A_170, %get3A_44 : vector<16xf32>
        %swap3A_172 = arith.index_cast %add3A_166 : i32 to index
        %swap3A_173 = arith.constant 0 : index
        %swap3A_174 = tpu.vector_load %arg8[%swap3A_172, %swap3A_173] {strides = array<i32>} : memref<128x64xf32, #tpu.memory_space<vmem>>, vector<1x16xf32>,
        %swap3A_175 = vector.shape_cast %swap3A_174 : vector<1x16xf32> to vector<16xf32>
        %swap3A_176 = vector.shape_cast %add3A_171 : vector<16xf32> to vector<1x16xf32>
        tpu.vector_store %arg8[%swap3A_172, %swap3A_173], %swap3A_176 {strides = array<i32>} : memref<128x64xf32, #tpu.memory_space<vmem>>, vector<1x16xf32>,
        %get3A_177 = arith.index_cast %add3A_166 : i32 to index
        %get3A_178 = arith.constant 16 : index
        %get3A_179 = tpu.vector_load %arg8[%get3A_177, %get3A_178] {strides = array<i32>} : memref<128x64xf32, #tpu.memory_space<vmem>>, vector<1x16xf32>,
        %get3A_180 = vector.shape_cast %get3A_179 : vector<1x16xf32> to vector<16xf32>
        %add3A_181 = arith.addf %get3A_180, %get3A_48 : vector<16xf32>
        %swap3A_182 = arith.index_cast %add3A_166 : i32 to index
        %swap3A_183 = arith.constant 16 : index
        %swap3A_184 = tpu.vector_load %arg8[%swap3A_182, %swap3A_183] {strides = array<i32>} : memref<128x64xf32, #tpu.memory_space<vmem>>, vector<1x16xf32>,
        %swap3A_185 = vector.shape_cast %swap3A_184 : vector<1x16xf32> to vector<16xf32>
        %swap3A_186 = vector.shape_cast %add3A_181 : vector<16xf32> to vector<1x16xf32>
        tpu.vector_store %arg8[%swap3A_182, %swap3A_183], %swap3A_186 {strides = array<i32>} : memref<128x64xf32, #tpu.memory_space<vmem>>, vector<1x16xf32>,
        %get3A_187 = arith.index_cast %add3A_166 : i32 to index
        %get3A_188 = arith.constant 32 : index
        %get3A_189 = tpu.vector_load %arg8[%get3A_187, %get3A_188] {strides = array<i32>} : memref<128x64xf32, #tpu.memory_space<vmem>>, vector<1x16xf32>,
        %get3A_190 = vector.shape_cast %get3A_189 : vector<1x16xf32> to vector<16xf32>
        %add3A_191 = arith.addf %get3A_190, %get3A_52 : vector<16xf32>
        %swap3A_192 = arith.index_cast %add3A_166 : i32 to index
        %swap3A_193 = arith.constant 32 : index
        %swap3A_194 = tpu.vector_load %arg8[%swap3A_192, %swap3A_193] {strides = array<i32>} : memref<128x64xf32, #tpu.memory_space<vmem>>, vector<1x16xf32>,
        %swap3A_195 = vector.shape_cast %swap3A_194 : vector<1x16xf32> to vector<16xf32>
        %swap3A_196 = vector.shape_cast %add3A_191 : vector<16xf32> to vector<1x16xf32>
        tpu.vector_store %arg8[%swap3A_192, %swap3A_193], %swap3A_196 {strides = array<i32>} : memref<128x64xf32, #tpu.memory_space<vmem>>, vector<1x16xf32>,
        %get3A_197 = arith.index_cast %add3A_166 : i32 to index
        %get3A_198 = arith.constant 48 : index
        %get3A_199 = tpu.vector_load %arg8[%get3A_197, %get3A_198] {strides = array<i32>} : memref<128x64xf32, #tpu.memory_space<vmem>>, vector<1x16xf32>,
        %get3A_200 = vector.shape_cast %get3A_199 : vector<1x16xf32> to vector<16xf32>
        %add3A_201 = arith.addf %get3A_200, %get3A_56 : vector<16xf32>
        %swap3A_202 = arith.index_cast %add3A_166 : i32 to index
        %swap3A_203 = arith.constant 48 : index
        %swap3A_204 = tpu.vector_load %arg8[%swap3A_202, %swap3A_203] {strides = array<i32>} : memref<128x64xf32, #tpu.memory_space<vmem>>, vector<1x16xf32>,
        %swap3A_205 = vector.shape_cast %swap3A_204 : vector<1x16xf32> to vector<16xf32>
        %swap3A_206 = vector.shape_cast %add3A_201 : vector<16xf32> to vector<1x16xf32>
        tpu.vector_store %arg8[%swap3A_202, %swap3A_203], %swap3A_206 {strides = array<i32>} : memref<128x64xf32, #tpu.memory_space<vmem>>, vector<1x16xf32>,
        %scan3A_207 = arith.constant 2 : i32
        %scan3A_208 = arith.addi %scan3A_117, %scan3A_207 : i32
        %mul3A_209 = arith.constant 1 : i32
        %mul3A_210 = arith.muli %scan3A_208, %mul3A_209 : i32
        %add3A_211 = arith.constant 0 : i32
        %add3A_212 = arith.addi %add3A_211, %mul3A_210 : i32
        %get3A_213 = arith.index_cast %add3A_212 : i32 to index
        %get3A_214 = arith.constant 0 : index
        %get3A_215 = tpu.vector_load %arg8[%get3A_213, %get3A_214] {strides = array<i32>} : memref<128x64xf32, #tpu.memory_space<vmem>>, vector<1x16xf32>,
        %get3A_216 = vector.shape_cast %get3A_215 : vector<1x16xf32> to vector<16xf32>
        %add3A_217 = arith.addf %get3A_216, %get3A_44 : vector<16xf32>
        %swap3A_218 = arith.index_cast %add3A_212 : i32 to index
        %swap3A_219 = arith.constant 0 : index
        %swap3A_220 = tpu.vector_load %arg8[%swap3A_218, %swap3A_219] {strides = array<i32>} : memref<128x64xf32, #tpu.memory_space<vmem>>, vector<1x16xf32>,
        %swap3A_221 = vector.shape_cast %swap3A_220 : vector<1x16xf32> to vector<16xf32>
        %swap3A_222 = vector.shape_cast %add3A_217 : vector<16xf32> to vector<1x16xf32>
        tpu.vector_store %arg8[%swap3A_218, %swap3A_219], %swap3A_222 {strides = array<i32>} : memref<128x64xf32, #tpu.memory_space<vmem>>, vector<1x16xf32>,
        %get3A_223 = arith.index_cast %add3A_212 : i32 to index
        %get3A_224 = arith.constant 16 : index
        %get3A_225 = tpu.vector_load %arg8[%get3A_223, %get3A_224] {strides = array<i32>} : memref<128x64xf32, #tpu.memory_space<vmem>>, vector<1x16xf32>,
        %get3A_226 = vector.shape_cast %get3A_225 : vector<1x16xf32> to vector<16xf32>
        %add3A_227 = arith.addf %get3A_226, %get3A_48 : vector<16xf32>
        %swap3A_228 = arith.index_cast %add3A_212 : i32 to index
        %swap3A_229 = arith.constant 16 : index
        %swap3A_230 = tpu.vector_load %arg8[%swap3A_228, %swap3A_229] {strides = array<i32>} : memref<128x64xf32, #tpu.memory_space<vmem>>, vector<1x16xf32>,
        %swap3A_231 = vector.shape_cast %swap3A_230 : vector<1x16xf32> to vector<16xf32>
        %swap3A_232 = vector.shape_cast %add3A_227 : vector<16xf32> to vector<1x16xf32>
        tpu.vector_store %arg8[%swap3A_228, %swap3A_229], %swap3A_232 {strides = array<i32>} : memref<128x64xf32, #tpu.memory_space<vmem>>, vector<1x16xf32>,
        %get3A_233 = arith.index_cast %add3A_212 : i32 to index
        %get3A_234 = arith.constant 32 : index
        %get3A_235 = tpu.vector_load %arg8[%get3A_233, %get3A_234] {strides = array<i32>} : memref<128x64xf32, #tpu.memory_space<vmem>>, vector<1x16xf32>,
        %get3A_236 = vector.shape_cast %get3A_235 : vector<1x16xf32> to vector<16xf32>
        %add3A_237 = arith.addf %get3A_236, %get3A_52 : vector<16xf32>
        %swap3A_238 = arith.index_cast %add3A_212 : i32 to index
        %swap3A_239 = arith.constant 32 : index
        %swap3A_240 = tpu.vector_load %arg8[%swap3A_238, %swap3A_239] {strides = array<i32>} : memref<128x64xf32, #tpu.memory_space<vmem>>, vector<1x16xf32>,
        %swap3A_241 = vector.shape_cast %swap3A_240 : vector<1x16xf32> to vector<16xf32>
        %swap3A_242 = vector.shape_cast %add3A_237 : vector<16xf32> to vector<1x16xf32>
        tpu.vector_store %arg8[%swap3A_238, %swap3A_239], %swap3A_242 {strides = array<i32>} : memref<128x64xf32, #tpu.memory_space<vmem>>, vector<1x16xf32>,
        %get3A_243 = arith.index_cast %add3A_212 : i32 to index
        %get3A_244 = arith.constant 48 : index
        %get3A_245 = tpu.vector_load %arg8[%get3A_243, %get3A_244] {strides = array<i32>} : memref<128x64xf32, #tpu.memory_space<vmem>>, vector<1x16xf32>,
        %get3A_246 = vector.shape_cast %get3A_245 : vector<1x16xf32> to vector<16xf32>
        %add3A_247 = arith.addf %get3A_246, %get3A_56 : vector<16xf32>
        %swap3A_248 = arith.index_cast %add3A_212 : i32 to index
        %swap3A_249 = arith.constant 48 : index
        %swap3A_250 = tpu.vector_load %arg8[%swap3A_248, %swap3A_249] {strides = array<i32>} : memref<128x64xf32, #tpu.memory_space<vmem>>, vector<1x16xf32>,
        %swap3A_251 = vector.shape_cast %swap3A_250 : vector<1x16xf32> to vector<16xf32>
        %swap3A_252 = vector.shape_cast %add3A_247 : vector<16xf32> to vector<1x16xf32>
        tpu.vector_store %arg8[%swap3A_248, %swap3A_249], %swap3A_252 {strides = array<i32>} : memref<128x64xf32, #tpu.memory_space<vmem>>, vector<1x16xf32>,
        %scan3A_253 = arith.constant 3 : i32
        %scan3A_254 = arith.addi %scan3A_117, %scan3A_253 : i32
        %mul3A_255 = arith.constant 1 : i32
        %mul3A_256 = arith.muli %scan3A_254, %mul3A_255 : i32
        %add3A_257 = arith.constant 0 : i32
        %add3A_258 = arith.addi %add3A_257, %mul3A_256 : i32
        %get3A_259 = arith.index_cast %add3A_258 : i32 to index
        %get3A_260 = arith.constant 0 : index
        %get3A_261 = tpu.vector_load %arg8[%get3A_259, %get3A_260] {strides = array<i32>} : memref<128x64xf32, #tpu.memory_space<vmem>>, vector<1x16xf32>,
        %get3A_262 = vector.shape_cast %get3A_261 : vector<1x16xf32> to vector<16xf32>
        %add3A_263 = arith.addf %get3A_262, %get3A_44 : vector<16xf32>
        %swap3A_264 = arith.index_cast %add3A_258 : i32 to index
        %swap3A_265 = arith.constant 0 : index
        %swap3A_266 = tpu.vector_load %arg8[%swap3A_264, %swap3A_265] {strides = array<i32>} : memref<128x64xf32, #tpu.memory_space<vmem>>, vector<1x16xf32>,
        %swap3A_267 = vector.shape_cast %swap3A_266 : vector<1x16xf32> to vector<16xf32>
        %swap3A_268 = vector.shape_cast %add3A_263 : vector<16xf32> to vector<1x16xf32>
        tpu.vector_store %arg8[%swap3A_264, %swap3A_265], %swap3A_268 {strides = array<i32>} : memref<128x64xf32, #tpu.memory_space<vmem>>, vector<1x16xf32>,
        %get3A_269 = arith.index_cast %add3A_258 : i32 to index
        %get3A_270 = arith.constant 16 : index
        %get3A_271 = tpu.vector_load %arg8[%get3A_269, %get3A_270] {strides = array<i32>} : memref<128x64xf32, #tpu.memory_space<vmem>>, vector<1x16xf32>,
        %get3A_272 = vector.shape_cast %get3A_271 : vector<1x16xf32> to vector<16xf32>
        %add3A_273 = arith.addf %get3A_272, %get3A_48 : vector<16xf32>
        %swap3A_274 = arith.index_cast %add3A_258 : i32 to index
        %swap3A_275 = arith.constant 16 : index
        %swap3A_276 = tpu.vector_load %arg8[%swap3A_274, %swap3A_275] {strides = array<i32>} : memref<128x64xf32, #tpu.memory_space<vmem>>, vector<1x16xf32>,
        %swap3A_277 = vector.shape_cast %swap3A_276 : vector<1x16xf32> to vector<16xf32>
        %swap3A_278 = vector.shape_cast %add3A_273 : vector<16xf32> to vector<1x16xf32>
        tpu.vector_store %arg8[%swap3A_274, %swap3A_275], %swap3A_278 {strides = array<i32>} : memref<128x64xf32, #tpu.memory_space<vmem>>, vector<1x16xf32>,
        %get3A_279 = arith.index_cast %add3A_258 : i32 to index
        %get3A_280 = arith.constant 32 : index
        %get3A_281 = tpu.vector_load %arg8[%get3A_279, %get3A_280] {strides = array<i32>} : memref<128x64xf32, #tpu.memory_space<vmem>>, vector<1x16xf32>,
        %get3A_282 = vector.shape_cast %get3A_281 : vector<1x16xf32> to vector<16xf32>
        %add3A_283 = arith.addf %get3A_282, %get3A_52 : vector<16xf32>
        %swap3A_284 = arith.index_cast %add3A_258 : i32 to index
        %swap3A_285 = arith.constant 32 : index
        %swap3A_286 = tpu.vector_load %arg8[%swap3A_284, %swap3A_285] {strides = array<i32>} : memref<128x64xf32, #tpu.memory_space<vmem>>, vector<1x16xf32>,
        %swap3A_287 = vector.shape_cast %swap3A_286 : vector<1x16xf32> to vector<16xf32>
        %swap3A_288 = vector.shape_cast %add3A_283 : vector<16xf32> to vector<1x16xf32>
        tpu.vector_store %arg8[%swap3A_284, %swap3A_285], %swap3A_288 {strides = array<i32>} : memref<128x64xf32, #tpu.memory_space<vmem>>, vector<1x16xf32>,
        %get3A_289 = arith.index_cast %add3A_258 : i32 to index
        %get3A_290 = arith.constant 48 : index
        %get3A_291 = tpu.vector_load %arg8[%get3A_289, %get3A_290] {strides = array<i32>} : memref<128x64xf32, #tpu.memory_space<vmem>>, vector<1x16xf32>,
        %get3A_292 = vector.shape_cast %get3A_291 : vector<1x16xf32> to vector<16xf32>
        %add3A_293 = arith.addf %get3A_292, %get3A_56 : vector<16xf32>
        %swap3A_294 = arith.index_cast %add3A_258 : i32 to index
        %swap3A_295 = arith.constant 48 : index
        %swap3A_296 = tpu.vector_load %arg8[%swap3A_294, %swap3A_295] {strides = array<i32>} : memref<128x64xf32, #tpu.memory_space<vmem>>, vector<1x16xf32>,
        %swap3A_297 = vector.shape_cast %swap3A_296 : vector<1x16xf32> to vector<16xf32>
        %swap3A_298 = vector.shape_cast %add3A_293 : vector<16xf32> to vector<1x16xf32>
        tpu.vector_store %arg8[%swap3A_294, %swap3A_295], %swap3A_298 {strides = array<i32>} : memref<128x64xf32, #tpu.memory_space<vmem>>, vector<1x16xf32>,
        %scan3A_299 = arith.constant 4 : i32
        %scan3A_300 = arith.addi %scan3A_117, %scan3A_299 : i32
        %mul3A_301 = arith.constant 1 : i32
        %mul3A_302 = arith.muli %scan3A_300, %mul3A_301 : i32
        %add3A_303 = arith.constant 0 : i32
        %add3A_304 = arith.addi %add3A_303, %mul3A_302 : i32
        %get3A_305 = arith.index_cast %add3A_304 : i32 to index
        %get3A_306 = arith.constant 0 : index
        %get3A_307 = tpu.vector_load %arg8[%get3A_305, %get3A_306] {strides = array<i32>} : memref<128x64xf32, #tpu.memory_space<vmem>>, vector<1x16xf32>,
        %get3A_308 = vector.shape_cast %get3A_307 : vector<1x16xf32> to vector<16xf32>
        %add3A_309 = arith.addf %get3A_308, %get3A_44 : vector<16xf32>
        %swap3A_310 = arith.index_cast %add3A_304 : i32 to index
        %swap3A_311 = arith.constant 0 : index
        %swap3A_312 = tpu.vector_load %arg8[%swap3A_310, %swap3A_311] {strides = array<i32>} : memref<128x64xf32, #tpu.memory_space<vmem>>, vector<1x16xf32>,
        %swap3A_313 = vector.shape_cast %swap3A_312 : vector<1x16xf32> to vector<16xf32>
        %swap3A_314 = vector.shape_cast %add3A_309 : vector<16xf32> to vector<1x16xf32>
        tpu.vector_store %arg8[%swap3A_310, %swap3A_311], %swap3A_314 {strides = array<i32>} : memref<128x64xf32, #tpu.memory_space<vmem>>, vector<1x16xf32>,
        %get3A_315 = arith.index_cast %add3A_304 : i32 to index
        %get3A_316 = arith.constant 16 : index
        %get3A_317 = tpu.vector_load %arg8[%get3A_315, %get3A_316] {strides = array<i32>} : memref<128x64xf32, #tpu.memory_space<vmem>>, vector<1x16xf32>,
        %get3A_318 = vector.shape_cast %get3A_317 : vector<1x16xf32> to vector<16xf32>
        %add3A_319 = arith.addf %get3A_318, %get3A_48 : vector<16xf32>
        %swap3A_320 = arith.index_cast %add3A_304 : i32 to index
        %swap3A_321 = arith.constant 16 : index
        %swap3A_322 = tpu.vector_load %arg8[%swap3A_320, %swap3A_321] {strides = array<i32>} : memref<128x64xf32, #tpu.memory_space<vmem>>, vector<1x16xf32>,
        %swap3A_323 = vector.shape_cast %swap3A_322 : vector<1x16xf32> to vector<16xf32>
        %swap3A_324 = vector.shape_cast %add3A_319 : vector<16xf32> to vector<1x16xf32>
        tpu.vector_store %arg8[%swap3A_320, %swap3A_321], %swap3A_324 {strides = array<i32>} : memref<128x64xf32, #tpu.memory_space<vmem>>, vector<1x16xf32>,
        %get3A_325 = arith.index_cast %add3A_304 : i32 to index
        %get3A_326 = arith.constant 32 : index
        %get3A_327 = tpu.vector_load %arg8[%get3A_325, %get3A_326] {strides = array<i32>} : memref<128x64xf32, #tpu.memory_space<vmem>>, vector<1x16xf32>,
        %get3A_328 = vector.shape_cast %get3A_327 : vector<1x16xf32> to vector<16xf32>
        %add3A_329 = arith.addf %get3A_328, %get3A_52 : vector<16xf32>
        %swap3A_330 = arith.index_cast %add3A_304 : i32 to index
        %swap3A_331 = arith.constant 32 : index
        %swap3A_332 = tpu.vector_load %arg8[%swap3A_330, %swap3A_331] {strides = array<i32>} : memref<128x64xf32, #tpu.memory_space<vmem>>, vector<1x16xf32>,
        %swap3A_333 = vector.shape_cast %swap3A_332 : vector<1x16xf32> to vector<16xf32>
        %swap3A_334 = vector.shape_cast %add3A_329 : vector<16xf32> to vector<1x16xf32>
        tpu.vector_store %arg8[%swap3A_330, %swap3A_331], %swap3A_334 {strides = array<i32>} : memref<128x64xf32, #tpu.memory_space<vmem>>, vector<1x16xf32>,
        %get3A_335 = arith.index_cast %add3A_304 : i32 to index
        %get3A_336 = arith.constant 48 : index
        %get3A_337 = tpu.vector_load %arg8[%get3A_335, %get3A_336] {strides = array<i32>} : memref<128x64xf32, #tpu.memory_space<vmem>>, vector<1x16xf32>,
        %get3A_338 = vector.shape_cast %get3A_337 : vector<1x16xf32> to vector<16xf32>
        %add3A_339 = arith.addf %get3A_338, %get3A_56 : vector<16xf32>
        %swap3A_340 = arith.index_cast %add3A_304 : i32 to index
        %swap3A_341 = arith.constant 48 : index
        %swap3A_342 = tpu.vector_load %arg8[%swap3A_340, %swap3A_341] {strides = array<i32>} : memref<128x64xf32, #tpu.memory_space<vmem>>, vector<1x16xf32>,
        %swap3A_343 = vector.shape_cast %swap3A_342 : vector<1x16xf32> to vector<16xf32>
        %swap3A_344 = vector.shape_cast %add3A_339 : vector<16xf32> to vector<1x16xf32>
        tpu.vector_store %arg8[%swap3A_340, %swap3A_341], %swap3A_344 {strides = array<i32>} : memref<128x64xf32, #tpu.memory_space<vmem>>, vector<1x16xf32>,
        %scan3A_345 = arith.constant 5 : i32
        %scan3A_346 = arith.addi %scan3A_117, %scan3A_345 : i32
        %mul3A_347 = arith.constant 1 : i32
        %mul3A_348 = arith.muli %scan3A_346, %mul3A_347 : i32
        %add3A_349 = arith.constant 0 : i32
        %add3A_350 = arith.addi %add3A_349, %mul3A_348 : i32
        %get3A_351 = arith.index_cast %add3A_350 : i32 to index
        %get3A_352 = arith.constant 0 : index
        %get3A_353 = tpu.vector_load %arg8[%get3A_351, %get3A_352] {strides = array<i32>} : memref<128x64xf32, #tpu.memory_space<vmem>>, vector<1x16xf32>,
        %get3A_354 = vector.shape_cast %get3A_353 : vector<1x16xf32> to vector<16xf32>
        %add3A_355 = arith.addf %get3A_354, %get3A_44 : vector<16xf32>
        %swap3A_356 = arith.index_cast %add3A_350 : i32 to index
        %swap3A_357 = arith.constant 0 : index
        %swap3A_358 = tpu.vector_load %arg8[%swap3A_356, %swap3A_357] {strides = array<i32>} : memref<128x64xf32, #tpu.memory_space<vmem>>, vector<1x16xf32>,
        %swap3A_359 = vector.shape_cast %swap3A_358 : vector<1x16xf32> to vector<16xf32>
        %swap3A_360 = vector.shape_cast %add3A_355 : vector<16xf32> to vector<1x16xf32>
        tpu.vector_store %arg8[%swap3A_356, %swap3A_357], %swap3A_360 {strides = array<i32>} : memref<128x64xf32, #tpu.memory_space<vmem>>, vector<1x16xf32>,
        %get3A_361 = arith.index_cast %add3A_350 : i32 to index
        %get3A_362 = arith.constant 16 : index
        %get3A_363 = tpu.vector_load %arg8[%get3A_361, %get3A_362] {strides = array<i32>} : memref<128x64xf32, #tpu.memory_space<vmem>>, vector<1x16xf32>,
        %get3A_364 = vector.shape_cast %get3A_363 : vector<1x16xf32> to vector<16xf32>
        %add3A_365 = arith.addf %get3A_364, %get3A_48 : vector<16xf32>
        %swap3A_366 = arith.index_cast %add3A_350 : i32 to index
        %swap3A_367 = arith.constant 16 : index
        %swap3A_368 = tpu.vector_load %arg8[%swap3A_366, %swap3A_367] {strides = array<i32>} : memref<128x64xf32, #tpu.memory_space<vmem>>, vector<1x16xf32>,
        %swap3A_369 = vector.shape_cast %swap3A_368 : vector<1x16xf32> to vector<16xf32>
        %swap3A_370 = vector.shape_cast %add3A_365 : vector<16xf32> to vector<1x16xf32>
        tpu.vector_store %arg8[%swap3A_366, %swap3A_367], %swap3A_370 {strides = array<i32>} : memref<128x64xf32, #tpu.memory_space<vmem>>, vector<1x16xf32>,
        %get3A_371 = arith.index_cast %add3A_350 : i32 to index
        %get3A_372 = arith.constant 32 : index
        %get3A_373 = tpu.vector_load %arg8[%get3A_371, %get3A_372] {strides = array<i32>} : memref<128x64xf32, #tpu.memory_space<vmem>>, vector<1x16xf32>,
        %get3A_374 = vector.shape_cast %get3A_373 : vector<1x16xf32> to vector<16xf32>
        %add3A_375 = arith.addf %get3A_374, %get3A_52 : vector<16xf32>
        %swap3A_376 = arith.index_cast %add3A_350 : i32 to index
        %swap3A_377 = arith.constant 32 : index
        %swap3A_378 = tpu.vector_load %arg8[%swap3A_376, %swap3A_377] {strides = array<i32>} : memref<128x64xf32, #tpu.memory_space<vmem>>, vector<1x16xf32>,
        %swap3A_379 = vector.shape_cast %swap3A_378 : vector<1x16xf32> to vector<16xf32>
        %swap3A_380 = vector.shape_cast %add3A_375 : vector<16xf32> to vector<1x16xf32>
        tpu.vector_store %arg8[%swap3A_376, %swap3A_377], %swap3A_380 {strides = array<i32>} : memref<128x64xf32, #tpu.memory_space<vmem>>, vector<1x16xf32>,
        %get3A_381 = arith.index_cast %add3A_350 : i32 to index
        %get3A_382 = arith.constant 48 : index
        %get3A_383 = tpu.vector_load %arg8[%get3A_381, %get3A_382] {strides = array<i32>} : memref<128x64xf32, #tpu.memory_space<vmem>>, vector<1x16xf32>,
        %get3A_384 = vector.shape_cast %get3A_383 : vector<1x16xf32> to vector<16xf32>
        %add3A_385 = arith.addf %get3A_384, %get3A_56 : vector<16xf32>
        %swap3A_386 = arith.index_cast %add3A_350 : i32 to index
        %swap3A_387 = arith.constant 48 : index
        %swap3A_388 = tpu.vector_load %arg8[%swap3A_386, %swap3A_387] {strides = array<i32>} : memref<128x64xf32, #tpu.memory_space<vmem>>, vector<1x16xf32>,
        %swap3A_389 = vector.shape_cast %swap3A_388 : vector<1x16xf32> to vector<16xf32>
        %swap3A_390 = vector.shape_cast %add3A_385 : vector<16xf32> to vector<1x16xf32>
        tpu.vector_store %arg8[%swap3A_386, %swap3A_387], %swap3A_390 {strides = array<i32>} : memref<128x64xf32, #tpu.memory_space<vmem>>, vector<1x16xf32>,
        %scan3A_391 = arith.constant 6 : i32
        %scan3A_392 = arith.addi %scan3A_117, %scan3A_391 : i32
        %mul3A_393 = arith.constant 1 : i32
        %mul3A_394 = arith.muli %scan3A_392, %mul3A_393 : i32
        %add3A_395 = arith.constant 0 : i32
        %add3A_396 = arith.addi %add3A_395, %mul3A_394 : i32
        %get3A_397 = arith.index_cast %add3A_396 : i32 to index
        %get3A_398 = arith.constant 0 : index
        %get3A_399 = tpu.vector_load %arg8[%get3A_397, %get3A_398] {strides = array<i32>} : memref<128x64xf32, #tpu.memory_space<vmem>>, vector<1x16xf32>,
        %get3A_400 = vector.shape_cast %get3A_399 : vector<1x16xf32> to vector<16xf32>
        %add3A_401 = arith.addf %get3A_400, %get3A_44 : vector<16xf32>
        %swap3A_402 = arith.index_cast %add3A_396 : i32 to index
        %swap3A_403 = arith.constant 0 : index
        %swap3A_404 = tpu.vector_load %arg8[%swap3A_402, %swap3A_403] {strides = array<i32>} : memref<128x64xf32, #tpu.memory_space<vmem>>, vector<1x16xf32>,
        %swap3A_405 = vector.shape_cast %swap3A_404 : vector<1x16xf32> to vector<16xf32>
        %swap3A_406 = vector.shape_cast %add3A_401 : vector<16xf32> to vector<1x16xf32>
        tpu.vector_store %arg8[%swap3A_402, %swap3A_403], %swap3A_406 {strides = array<i32>} : memref<128x64xf32, #tpu.memory_space<vmem>>, vector<1x16xf32>,
        %get3A_407 = arith.index_cast %add3A_396 : i32 to index
        %get3A_408 = arith.constant 16 : index
        %get3A_409 = tpu.vector_load %arg8[%get3A_407, %get3A_408] {strides = array<i32>} : memref<128x64xf32, #tpu.memory_space<vmem>>, vector<1x16xf32>,
        %get3A_410 = vector.shape_cast %get3A_409 : vector<1x16xf32> to vector<16xf32>
        %add3A_411 = arith.addf %get3A_410, %get3A_48 : vector<16xf32>
        %swap3A_412 = arith.index_cast %add3A_396 : i32 to index
        %swap3A_413 = arith.constant 16 : index
        %swap3A_414 = tpu.vector_load %arg8[%swap3A_412, %swap3A_413] {strides = array<i32>} : memref<128x64xf32, #tpu.memory_space<vmem>>, vector<1x16xf32>,
        %swap3A_415 = vector.shape_cast %swap3A_414 : vector<1x16xf32> to vector<16xf32>
        %swap3A_416 = vector.shape_cast %add3A_411 : vector<16xf32> to vector<1x16xf32>
        tpu.vector_store %arg8[%swap3A_412, %swap3A_413], %swap3A_416 {strides = array<i32>} : memref<128x64xf32, #tpu.memory_space<vmem>>, vector<1x16xf32>,
        %get3A_417 = arith.index_cast %add3A_396 : i32 to index
        %get3A_418 = arith.constant 32 : index
        %get3A_419 = tpu.vector_load %arg8[%get3A_417, %get3A_418] {strides = array<i32>} : memref<128x64xf32, #tpu.memory_space<vmem>>, vector<1x16xf32>,
        %get3A_420 = vector.shape_cast %get3A_419 : vector<1x16xf32> to vector<16xf32>
        %add3A_421 = arith.addf %get3A_420, %get3A_52 : vector<16xf32>
        %swap3A_422 = arith.index_cast %add3A_396 : i32 to index
        %swap3A_423 = arith.constant 32 : index
        %swap3A_424 = tpu.vector_load %arg8[%swap3A_422, %swap3A_423] {strides = array<i32>} : memref<128x64xf32, #tpu.memory_space<vmem>>, vector<1x16xf32>,
        %swap3A_425 = vector.shape_cast %swap3A_424 : vector<1x16xf32> to vector<16xf32>
        %swap3A_426 = vector.shape_cast %add3A_421 : vector<16xf32> to vector<1x16xf32>
        tpu.vector_store %arg8[%swap3A_422, %swap3A_423], %swap3A_426 {strides = array<i32>} : memref<128x64xf32, #tpu.memory_space<vmem>>, vector<1x16xf32>,
        %get3A_427 = arith.index_cast %add3A_396 : i32 to index
        %get3A_428 = arith.constant 48 : index
        %get3A_429 = tpu.vector_load %arg8[%get3A_427, %get3A_428] {strides = array<i32>} : memref<128x64xf32, #tpu.memory_space<vmem>>, vector<1x16xf32>,
        %get3A_430 = vector.shape_cast %get3A_429 : vector<1x16xf32> to vector<16xf32>
        %add3A_431 = arith.addf %get3A_430, %get3A_56 : vector<16xf32>
        %swap3A_432 = arith.index_cast %add3A_396 : i32 to index
        %swap3A_433 = arith.constant 48 : index
        %swap3A_434 = tpu.vector_load %arg8[%swap3A_432, %swap3A_433] {strides = array<i32>} : memref<128x64xf32, #tpu.memory_space<vmem>>, vector<1x16xf32>,
        %swap3A_435 = vector.shape_cast %swap3A_434 : vector<1x16xf32> to vector<16xf32>
        %swap3A_436 = vector.shape_cast %add3A_431 : vector<16xf32> to vector<1x16xf32>
        tpu.vector_store %arg8[%swap3A_432, %swap3A_433], %swap3A_436 {strides = array<i32>} : memref<128x64xf32, #tpu.memory_space<vmem>>, vector<1x16xf32>,
        %scan3A_437 = arith.constant 7 : i32
        %scan3A_438 = arith.addi %scan3A_117, %scan3A_437 : i32
        %mul3A_439 = arith.constant 1 : i32
        %mul3A_440 = arith.muli %scan3A_438, %mul3A_439 : i32
        %add3A_441 = arith.constant 0 : i32
        %add3A_442 = arith.addi %add3A_441, %mul3A_440 : i32
        %get3A_443 = arith.index_cast %add3A_442 : i32 to index
        %get3A_444 = arith.constant 0 : index
        %get3A_445 = tpu.vector_load %arg8[%get3A_443, %get3A_444] {strides = array<i32>} : memref<128x64xf32, #tpu.memory_space<vmem>>, vector<1x16xf32>,
        %get3A_446 = vector.shape_cast %get3A_445 : vector<1x16xf32> to vector<16xf32>
        %add3A_447 = arith.addf %get3A_446, %get3A_44 : vector<16xf32>
        %swap3A_448 = arith.index_cast %add3A_442 : i32 to index
        %swap3A_449 = arith.constant 0 : index
        %swap3A_450 = tpu.vector_load %arg8[%swap3A_448, %swap3A_449] {strides = array<i32>} : memref<128x64xf32, #tpu.memory_space<vmem>>, vector<1x16xf32>,
        %swap3A_451 = vector.shape_cast %swap3A_450 : vector<1x16xf32> to vector<16xf32>
        %swap3A_452 = vector.shape_cast %add3A_447 : vector<16xf32> to vector<1x16xf32>
        tpu.vector_store %arg8[%swap3A_448, %swap3A_449], %swap3A_452 {strides = array<i32>} : memref<128x64xf32, #tpu.memory_space<vmem>>, vector<1x16xf32>,
        %get3A_453 = arith.index_cast %add3A_442 : i32 to index
        %get3A_454 = arith.constant 16 : index
        %get3A_455 = tpu.vector_load %arg8[%get3A_453, %get3A_454] {strides = array<i32>} : memref<128x64xf32, #tpu.memory_space<vmem>>, vector<1x16xf32>,
        %get3A_456 = vector.shape_cast %get3A_455 : vector<1x16xf32> to vector<16xf32>
        %add3A_457 = arith.addf %get3A_456, %get3A_48 : vector<16xf32>
        %swap3A_458 = arith.index_cast %add3A_442 : i32 to index
        %swap3A_459 = arith.constant 16 : index
        %swap3A_460 = tpu.vector_load %arg8[%swap3A_458, %swap3A_459] {strides = array<i32>} : memref<128x64xf32, #tpu.memory_space<vmem>>, vector<1x16xf32>,
        %swap3A_461 = vector.shape_cast %swap3A_460 : vector<1x16xf32> to vector<16xf32>
        %swap3A_462 = vector.shape_cast %add3A_457 : vector<16xf32> to vector<1x16xf32>
        tpu.vector_store %arg8[%swap3A_458, %swap3A_459], %swap3A_462 {strides = array<i32>} : memref<128x64xf32, #tpu.memory_space<vmem>>, vector<1x16xf32>,
        %get3A_463 = arith.index_cast %add3A_442 : i32 to index
        %get3A_464 = arith.constant 32 : index
        %get3A_465 = tpu.vector_load %arg8[%get3A_463, %get3A_464] {strides = array<i32>} : memref<128x64xf32, #tpu.memory_space<vmem>>, vector<1x16xf32>,
        %get3A_466 = vector.shape_cast %get3A_465 : vector<1x16xf32> to vector<16xf32>
        %add3A_467 = arith.addf %get3A_466, %get3A_52 : vector<16xf32>
        %swap3A_468 = arith.index_cast %add3A_442 : i32 to index
        %swap3A_469 = arith.constant 32 : index
        %swap3A_470 = tpu.vector_load %arg8[%swap3A_468, %swap3A_469] {strides = array<i32>} : memref<128x64xf32, #tpu.memory_space<vmem>>, vector<1x16xf32>,
        %swap3A_471 = vector.shape_cast %swap3A_470 : vector<1x16xf32> to vector<16xf32>
        %swap3A_472 = vector.shape_cast %add3A_467 : vector<16xf32> to vector<1x16xf32>
        tpu.vector_store %arg8[%swap3A_468, %swap3A_469], %swap3A_472 {strides = array<i32>} : memref<128x64xf32, #tpu.memory_space<vmem>>, vector<1x16xf32>,
        %get3A_473 = arith.index_cast %add3A_442 : i32 to index
        %get3A_474 = arith.constant 48 : index
        %get3A_475 = tpu.vector_load %arg8[%get3A_473, %get3A_474] {strides = array<i32>} : memref<128x64xf32, #tpu.memory_space<vmem>>, vector<1x16xf32>,
        %get3A_476 = vector.shape_cast %get3A_475 : vector<1x16xf32> to vector<16xf32>
        %add3A_477 = arith.addf %get3A_476, %get3A_56 : vector<16xf32>
        %swap3A_478 = arith.index_cast %add3A_442 : i32 to index
        %swap3A_479 = arith.constant 48 : index
        %swap3A_480 = tpu.vector_load %arg8[%swap3A_478, %swap3A_479] {strides = array<i32>} : memref<128x64xf32, #tpu.memory_space<vmem>>, vector<1x16xf32>,
        %swap3A_481 = vector.shape_cast %swap3A_480 : vector<1x16xf32> to vector<16xf32>
        %swap3A_482 = vector.shape_cast %add3A_477 : vector<16xf32> to vector<1x16xf32>
        tpu.vector_store %arg8[%swap3A_478, %swap3A_479], %swap3A_482 {strides = array<i32>} : memref<128x64xf32, #tpu.memory_space<vmem>>, vector<1x16xf32>,
      }
      %scan3A_61 = arith.constant 128 : i32
      %dma_start3A_62 = arith.constant 0 : i32
      %dma_start3A_63 = tpu.memref_slice %arg5[%mul3A_2, %add3A_27, %dma_start3A_62] : memref<4096x200x64xf32, #tpu.memory_space<hbm>> -> memref<128x1x64xf32, #tpu.memory_space<hbm>>
      %dma_start3A_64 = tpu.memref_squeeze %dma_start3A_63 : memref<128x1x64xf32, #tpu.memory_space<hbm>> -> memref<128x64xf32, #tpu.memory_space<hbm>>
      %dma_start3A_65 = arith.constant 0 : i32
      %dma_start3A_66 = tpu.memref_slice %arg5[%mul3A_2, %add3A_27, %dma_start3A_65] : memref<4096x200x64xf32, #tpu.memory_space<hbm>> -> memref<128x1x64xf32, #tpu.memory_space<hbm>>
      %dma_start3A_67 = tpu.memref_squeeze %dma_start3A_66 : memref<128x1x64xf32, #tpu.memory_space<hbm>> -> memref<128x64xf32, #tpu.memory_space<hbm>>
      tpu.enqueue_dma source(%arg8 : memref<128x64xf32, #tpu.memory_space<vmem>>) target(%dma_start3A_67 : memref<128x64xf32, #tpu.memory_space<hbm>>) target_semaphore(%arg11 : memref<!tpu.dma_semaphore, #tpu.memory_space<semaphore_mem>>)
      %mul3A_68 = arith.constant 2 : i32
      %mul3A_69 = arith.muli %add3A_23, %mul3A_68 : i32
      %add3A_70 = arith.constant 1 : i32
      %add3A_71 = arith.addi %mul3A_69, %add3A_70 : i32
      %dma_wait3A_72 = arith.constant 0 : i32
      %dma_wait3A_73 = tpu.memref_slice %arg6[%add3A_71, %dma_wait3A_72] : memref<200x128xi32, #tpu.memory_space<vmem>> -> memref<1x128xi32, #tpu.memory_space<vmem>>
      %dma_wait3A_74 = tpu.memref_squeeze %dma_wait3A_73 : memref<1x128xi32, #tpu.memory_space<vmem>> -> memref<128xi32, #tpu.memory_space<vmem>>
      %dma_wait3A_75 = arith.constant 0 : i32
      %dma_wait3A_76 = arith.constant 0 : i32
      %dma_wait3A_77 = tpu.memref_slice %arg3[%dma_wait3A_75, %dma_wait3A_76] : memref<1000000x64xf32, #tpu.memory_space<hbm>> -> memref<1000000x64xf32, #tpu.memory_space<hbm>>
      tpu.wait_indirect_dma semaphore(%arg10 : memref<!tpu.dma_semaphore, #tpu.memory_space<semaphore_mem>>) src(%dma_wait3A_77 : memref<1000000x64xf32, #tpu.memory_space<hbm>>) dst(%arg9 : memref<128x64xf32, #tpu.memory_space<vmem>>)
      %ge3A_78 = arith.constant 1 : i32
      %ge3A_79 = arith.cmpi sge, %add3A_71, %ge3A_78 : i32
      %convert_element_type3A_80 = arith.extui %ge3A_79 : i1 to i32
      %cond3A_81 = arith.constant 0 : i32
      %cond3A_82 = arith.cmpi ne, %convert_element_type3A_80, %cond3A_81 : i32
      scf.if %cond3A_82 {
        %dma_wait3A_117 = arith.constant 0 : i32
        %dma_wait3A_118 = tpu.memref_slice %arg5[%mul3A_2, %add3A_71, %dma_wait3A_117] : memref<4096x200x64xf32, #tpu.memory_space<hbm>> -> memref<128x1x64xf32, #tpu.memory_space<hbm>>
        %dma_wait3A_119 = tpu.memref_squeeze %dma_wait3A_118 : memref<128x1x64xf32, #tpu.memory_space<hbm>> -> memref<128x64xf32, #tpu.memory_space<hbm>>
        %dma_wait3A_120 = arith.constant 0 : i32
        %dma_wait3A_121 = tpu.memref_slice %arg5[%mul3A_2, %add3A_71, %dma_wait3A_120] : memref<4096x200x64xf32, #tpu.memory_space<hbm>> -> memref<128x1x64xf32, #tpu.memory_space<hbm>>
        %dma_wait3A_122 = tpu.memref_squeeze %dma_wait3A_121 : memref<128x1x64xf32, #tpu.memory_space<hbm>> -> memref<128x64xf32, #tpu.memory_space<hbm>>
        tpu.wait_dma2 semaphore(%arg11 : memref<!tpu.dma_semaphore, #tpu.memory_space<semaphore_mem>>) src(%arg8 : memref<128x64xf32, #tpu.memory_space<vmem>>) dst(%dma_wait3A_122 : memref<128x64xf32, #tpu.memory_space<hbm>>)
      } else {
      }
      %add3A_83 = arith.constant 1 : i32
      %add3A_84 = arith.addi %add3A_71, %add3A_83 : i32
      %lt3A_85 = arith.constant 200 : i32
      %lt3A_86 = arith.cmpi slt, %add3A_84, %lt3A_85 : i32
      %convert_element_type3A_87 = arith.extui %lt3A_86 : i1 to i32
      %cond3A_88 = arith.constant 0 : i32
      %cond3A_89 = arith.cmpi ne, %convert_element_type3A_87, %cond3A_88 : i32
      scf.if %cond3A_89 {
        %add3A_117 = arith.constant 1 : i32
        %add3A_118 = arith.addi %add3A_71, %add3A_117 : i32
        %dma_start3A_119 = arith.constant 0 : i32
        %dma_start3A_120 = tpu.memref_slice %arg6[%add3A_118, %dma_start3A_119] : memref<200x128xi32, #tpu.memory_space<vmem>> -> memref<1x128xi32, #tpu.memory_space<vmem>>
        %dma_start3A_121 = tpu.memref_squeeze %dma_start3A_120 : memref<1x128xi32, #tpu.memory_space<vmem>> -> memref<128xi32, #tpu.memory_space<vmem>>
        %dma_start3A_122 = arith.constant 0 : i32
        %dma_start3A_123 = arith.constant 0 : i32
        %dma_start3A_124 = tpu.memref_slice %arg3[%dma_start3A_122, %dma_start3A_123] : memref<1000000x64xf32, #tpu.memory_space<hbm>> -> memref<1000000x64xf32, #tpu.memory_space<hbm>>
        tpu.enqueue_indirect_dma source(%dma_start3A_124 : memref<1000000x64xf32, #tpu.memory_space<hbm>>) target(%arg8 : memref<128x64xf32, #tpu.memory_space<vmem>>) offsets(%dma_start3A_121 : memref<128xi32, #tpu.memory_space<vmem>>) semaphore(%arg10 : memref<!tpu.dma_semaphore, #tpu.memory_space<semaphore_mem>>)
      } else {
      }
      %get3A_90 = arith.index_cast %add3A_71 : i32 to index
      %get3A_91 = arith.constant 0 : index
      %get3A_92 = tpu.vector_load %arg7[%get3A_90, %get3A_91] {strides = array<i32>} : memref<200x64xf32, #tpu.memory_space<vmem>>, vector<1x16xf32>,
      %get3A_93 = vector.shape_cast %get3A_92 : vector<1x16xf32> to vector<16xf32>
      %get3A_94 = arith.index_cast %add3A_71 : i32 to index
      %get3A_95 = arith.constant 16 : index
      %get3A_96 = tpu.vector_load %arg7[%get3A_94, %get3A_95] {strides = array<i32>} : memref<200x64xf32, #tpu.memory_space<vmem>>, vector<1x16xf32>,
      %get3A_97 = vector.shape_cast %get3A_96 : vector<1x16xf32> to vector<16xf32>
      %get3A_98 = arith.index_cast %add3A_71 : i32 to index
      %get3A_99 = arith.constant 32 : index
      %get3A_100 = tpu.vector_load %arg7[%get3A_98, %get3A_99] {strides = array<i32>} : memref<200x64xf32, #tpu.memory_space<vmem>>, vector<1x16xf32>,
      %get3A_101 = vector.shape_cast %get3A_100 : vector<1x16xf32> to vector<16xf32>
      %get3A_102 = arith.index_cast %add3A_71 : i32 to index
      %get3A_103 = arith.constant 48 : index
      %get3A_104 = tpu.vector_load %arg7[%get3A_102, %get3A_103] {strides = array<i32>} : memref<200x64xf32, #tpu.memory_space<vmem>>, vector<1x16xf32>,
      %get3A_105 = vector.shape_cast %get3A_104 : vector<1x16xf32> to vector<16xf32>
      %scan3A_106 = arith.constant 0 : i32
      %scan3A_107 = arith.constant 128 : i32
      %scan3A_108 = arith.addi %scan3A_106, %scan3A_107 : i32
      %scan3A_109 = arith.constant 8 : i32
      scf.for %scan3A_117 = %scan3A_106 to %scan3A_108 step %scan3A_109  : i32 {
        %mul3A_118 = arith.constant 1 : i32
        %mul3A_119 = arith.muli %scan3A_117, %mul3A_118 : i32
        %add3A_120 = arith.constant 0 : i32
        %add3A_121 = arith.addi %add3A_120, %mul3A_119 : i32
        %get3A_122 = arith.index_cast %add3A_121 : i32 to index
        %get3A_123 = arith.constant 0 : index
        %get3A_124 = tpu.vector_load %arg9[%get3A_122, %get3A_123] {strides = array<i32>} : memref<128x64xf32, #tpu.memory_space<vmem>>, vector<1x16xf32>,
        %get3A_125 = vector.shape_cast %get3A_124 : vector<1x16xf32> to vector<16xf32>
        %add3A_126 = arith.addf %get3A_125, %get3A_93 : vector<16xf32>
        %swap3A = arith.index_cast %add3A_121 : i32 to index
        %swap3A_127 = arith.constant 0 : index
        %swap3A_128 = tpu.vector_load %arg9[%swap3A, %swap3A_127] {strides = array<i32>} : memref<128x64xf32, #tpu.memory_space<vmem>>, vector<1x16xf32>,
        %swap3A_129 = vector.shape_cast %swap3A_128 : vector<1x16xf32> to vector<16xf32>
        %swap3A_130 = vector.shape_cast %add3A_126 : vector<16xf32> to vector<1x16xf32>
        tpu.vector_store %arg9[%swap3A, %swap3A_127], %swap3A_130 {strides = array<i32>} : memref<128x64xf32, #tpu.memory_space<vmem>>, vector<1x16xf32>,
        %get3A_131 = arith.index_cast %add3A_121 : i32 to index
        %get3A_132 = arith.constant 16 : index
        %get3A_133 = tpu.vector_load %arg9[%get3A_131, %get3A_132] {strides = array<i32>} : memref<128x64xf32, #tpu.memory_space<vmem>>, vector<1x16xf32>,
        %get3A_134 = vector.shape_cast %get3A_133 : vector<1x16xf32> to vector<16xf32>
        %add3A_135 = arith.addf %get3A_134, %get3A_97 : vector<16xf32>
        %swap3A_136 = arith.index_cast %add3A_121 : i32 to index
        %swap3A_137 = arith.constant 16 : index
        %swap3A_138 = tpu.vector_load %arg9[%swap3A_136, %swap3A_137] {strides = array<i32>} : memref<128x64xf32, #tpu.memory_space<vmem>>, vector<1x16xf32>,
        %swap3A_139 = vector.shape_cast %swap3A_138 : vector<1x16xf32> to vector<16xf32>
        %swap3A_140 = vector.shape_cast %add3A_135 : vector<16xf32> to vector<1x16xf32>
        tpu.vector_store %arg9[%swap3A_136, %swap3A_137], %swap3A_140 {strides = array<i32>} : memref<128x64xf32, #tpu.memory_space<vmem>>, vector<1x16xf32>,
        %get3A_141 = arith.index_cast %add3A_121 : i32 to index
        %get3A_142 = arith.constant 32 : index
        %get3A_143 = tpu.vector_load %arg9[%get3A_141, %get3A_142] {strides = array<i32>} : memref<128x64xf32, #tpu.memory_space<vmem>>, vector<1x16xf32>,
        %get3A_144 = vector.shape_cast %get3A_143 : vector<1x16xf32> to vector<16xf32>
        %add3A_145 = arith.addf %get3A_144, %get3A_101 : vector<16xf32>
        %swap3A_146 = arith.index_cast %add3A_121 : i32 to index
        %swap3A_147 = arith.constant 32 : index
        %swap3A_148 = tpu.vector_load %arg9[%swap3A_146, %swap3A_147] {strides = array<i32>} : memref<128x64xf32, #tpu.memory_space<vmem>>, vector<1x16xf32>,
        %swap3A_149 = vector.shape_cast %swap3A_148 : vector<1x16xf32> to vector<16xf32>
        %swap3A_150 = vector.shape_cast %add3A_145 : vector<16xf32> to vector<1x16xf32>
        tpu.vector_store %arg9[%swap3A_146, %swap3A_147], %swap3A_150 {strides = array<i32>} : memref<128x64xf32, #tpu.memory_space<vmem>>, vector<1x16xf32>,
        %get3A_151 = arith.index_cast %add3A_121 : i32 to index
        %get3A_152 = arith.constant 48 : index
        %get3A_153 = tpu.vector_load %arg9[%get3A_151, %get3A_152] {strides = array<i32>} : memref<128x64xf32, #tpu.memory_space<vmem>>, vector<1x16xf32>,
        %get3A_154 = vector.shape_cast %get3A_153 : vector<1x16xf32> to vector<16xf32>
        %add3A_155 = arith.addf %get3A_154, %get3A_105 : vector<16xf32>
        %swap3A_156 = arith.index_cast %add3A_121 : i32 to index
        %swap3A_157 = arith.constant 48 : index
        %swap3A_158 = tpu.vector_load %arg9[%swap3A_156, %swap3A_157] {strides = array<i32>} : memref<128x64xf32, #tpu.memory_space<vmem>>, vector<1x16xf32>,
        %swap3A_159 = vector.shape_cast %swap3A_158 : vector<1x16xf32> to vector<16xf32>
        %swap3A_160 = vector.shape_cast %add3A_155 : vector<16xf32> to vector<1x16xf32>
        tpu.vector_store %arg9[%swap3A_156, %swap3A_157], %swap3A_160 {strides = array<i32>} : memref<128x64xf32, #tpu.memory_space<vmem>>, vector<1x16xf32>,
        %scan3A_161 = arith.constant 1 : i32
        %scan3A_162 = arith.addi %scan3A_117, %scan3A_161 : i32
        %mul3A_163 = arith.constant 1 : i32
        %mul3A_164 = arith.muli %scan3A_162, %mul3A_163 : i32
        %add3A_165 = arith.constant 0 : i32
        %add3A_166 = arith.addi %add3A_165, %mul3A_164 : i32
        %get3A_167 = arith.index_cast %add3A_166 : i32 to index
        %get3A_168 = arith.constant 0 : index
        %get3A_169 = tpu.vector_load %arg9[%get3A_167, %get3A_168] {strides = array<i32>} : memref<128x64xf32, #tpu.memory_space<vmem>>, vector<1x16xf32>,
        %get3A_170 = vector.shape_cast %get3A_169 : vector<1x16xf32> to vector<16xf32>
        %add3A_171 = arith.addf %get3A_170, %get3A_93 : vector<16xf32>
        %swap3A_172 = arith.index_cast %add3A_166 : i32 to index
        %swap3A_173 = arith.constant 0 : index
        %swap3A_174 = tpu.vector_load %arg9[%swap3A_172, %swap3A_173] {strides = array<i32>} : memref<128x64xf32, #tpu.memory_space<vmem>>, vector<1x16xf32>,
        %swap3A_175 = vector.shape_cast %swap3A_174 : vector<1x16xf32> to vector<16xf32>
        %swap3A_176 = vector.shape_cast %add3A_171 : vector<16xf32> to vector<1x16xf32>
        tpu.vector_store %arg9[%swap3A_172, %swap3A_173], %swap3A_176 {strides = array<i32>} : memref<128x64xf32, #tpu.memory_space<vmem>>, vector<1x16xf32>,
        %get3A_177 = arith.index_cast %add3A_166 : i32 to index
        %get3A_178 = arith.constant 16 : index
        %get3A_179 = tpu.vector_load %arg9[%get3A_177, %get3A_178] {strides = array<i32>} : memref<128x64xf32, #tpu.memory_space<vmem>>, vector<1x16xf32>,
        %get3A_180 = vector.shape_cast %get3A_179 : vector<1x16xf32> to vector<16xf32>
        %add3A_181 = arith.addf %get3A_180, %get3A_97 : vector<16xf32>
        %swap3A_182 = arith.index_cast %add3A_166 : i32 to index
        %swap3A_183 = arith.constant 16 : index
        %swap3A_184 = tpu.vector_load %arg9[%swap3A_182, %swap3A_183] {strides = array<i32>} : memref<128x64xf32, #tpu.memory_space<vmem>>, vector<1x16xf32>,
        %swap3A_185 = vector.shape_cast %swap3A_184 : vector<1x16xf32> to vector<16xf32>
        %swap3A_186 = vector.shape_cast %add3A_181 : vector<16xf32> to vector<1x16xf32>
        tpu.vector_store %arg9[%swap3A_182, %swap3A_183], %swap3A_186 {strides = array<i32>} : memref<128x64xf32, #tpu.memory_space<vmem>>, vector<1x16xf32>,
        %get3A_187 = arith.index_cast %add3A_166 : i32 to index
        %get3A_188 = arith.constant 32 : index
        %get3A_189 = tpu.vector_load %arg9[%get3A_187, %get3A_188] {strides = array<i32>} : memref<128x64xf32, #tpu.memory_space<vmem>>, vector<1x16xf32>,
        %get3A_190 = vector.shape_cast %get3A_189 : vector<1x16xf32> to vector<16xf32>
        %add3A_191 = arith.addf %get3A_190, %get3A_101 : vector<16xf32>
        %swap3A_192 = arith.index_cast %add3A_166 : i32 to index
        %swap3A_193 = arith.constant 32 : index
        %swap3A_194 = tpu.vector_load %arg9[%swap3A_192, %swap3A_193] {strides = array<i32>} : memref<128x64xf32, #tpu.memory_space<vmem>>, vector<1x16xf32>,
        %swap3A_195 = vector.shape_cast %swap3A_194 : vector<1x16xf32> to vector<16xf32>
        %swap3A_196 = vector.shape_cast %add3A_191 : vector<16xf32> to vector<1x16xf32>
        tpu.vector_store %arg9[%swap3A_192, %swap3A_193], %swap3A_196 {strides = array<i32>} : memref<128x64xf32, #tpu.memory_space<vmem>>, vector<1x16xf32>,
        %get3A_197 = arith.index_cast %add3A_166 : i32 to index
        %get3A_198 = arith.constant 48 : index
        %get3A_199 = tpu.vector_load %arg9[%get3A_197, %get3A_198] {strides = array<i32>} : memref<128x64xf32, #tpu.memory_space<vmem>>, vector<1x16xf32>,
        %get3A_200 = vector.shape_cast %get3A_199 : vector<1x16xf32> to vector<16xf32>
        %add3A_201 = arith.addf %get3A_200, %get3A_105 : vector<16xf32>
        %swap3A_202 = arith.index_cast %add3A_166 : i32 to index
        %swap3A_203 = arith.constant 48 : index
        %swap3A_204 = tpu.vector_load %arg9[%swap3A_202, %swap3A_203] {strides = array<i32>} : memref<128x64xf32, #tpu.memory_space<vmem>>, vector<1x16xf32>,
        %swap3A_205 = vector.shape_cast %swap3A_204 : vector<1x16xf32> to vector<16xf32>
        %swap3A_206 = vector.shape_cast %add3A_201 : vector<16xf32> to vector<1x16xf32>
        tpu.vector_store %arg9[%swap3A_202, %swap3A_203], %swap3A_206 {strides = array<i32>} : memref<128x64xf32, #tpu.memory_space<vmem>>, vector<1x16xf32>,
        %scan3A_207 = arith.constant 2 : i32
        %scan3A_208 = arith.addi %scan3A_117, %scan3A_207 : i32
        %mul3A_209 = arith.constant 1 : i32
        %mul3A_210 = arith.muli %scan3A_208, %mul3A_209 : i32
        %add3A_211 = arith.constant 0 : i32
        %add3A_212 = arith.addi %add3A_211, %mul3A_210 : i32
        %get3A_213 = arith.index_cast %add3A_212 : i32 to index
        %get3A_214 = arith.constant 0 : index
        %get3A_215 = tpu.vector_load %arg9[%get3A_213, %get3A_214] {strides = array<i32>} : memref<128x64xf32, #tpu.memory_space<vmem>>, vector<1x16xf32>,
        %get3A_216 = vector.shape_cast %get3A_215 : vector<1x16xf32> to vector<16xf32>
        %add3A_217 = arith.addf %get3A_216, %get3A_93 : vector<16xf32>
        %swap3A_218 = arith.index_cast %add3A_212 : i32 to index
        %swap3A_219 = arith.constant 0 : index
        %swap3A_220 = tpu.vector_load %arg9[%swap3A_218, %swap3A_219] {strides = array<i32>} : memref<128x64xf32, #tpu.memory_space<vmem>>, vector<1x16xf32>,
        %swap3A_221 = vector.shape_cast %swap3A_220 : vector<1x16xf32> to vector<16xf32>
        %swap3A_222 = vector.shape_cast %add3A_217 : vector<16xf32> to vector<1x16xf32>
        tpu.vector_store %arg9[%swap3A_218, %swap3A_219], %swap3A_222 {strides = array<i32>} : memref<128x64xf32, #tpu.memory_space<vmem>>, vector<1x16xf32>,
        %get3A_223 = arith.index_cast %add3A_212 : i32 to index
        %get3A_224 = arith.constant 16 : index
        %get3A_225 = tpu.vector_load %arg9[%get3A_223, %get3A_224] {strides = array<i32>} : memref<128x64xf32, #tpu.memory_space<vmem>>, vector<1x16xf32>,
        %get3A_226 = vector.shape_cast %get3A_225 : vector<1x16xf32> to vector<16xf32>
        %add3A_227 = arith.addf %get3A_226, %get3A_97 : vector<16xf32>
        %swap3A_228 = arith.index_cast %add3A_212 : i32 to index
        %swap3A_229 = arith.constant 16 : index
        %swap3A_230 = tpu.vector_load %arg9[%swap3A_228, %swap3A_229] {strides = array<i32>} : memref<128x64xf32, #tpu.memory_space<vmem>>, vector<1x16xf32>,
        %swap3A_231 = vector.shape_cast %swap3A_230 : vector<1x16xf32> to vector<16xf32>
        %swap3A_232 = vector.shape_cast %add3A_227 : vector<16xf32> to vector<1x16xf32>
        tpu.vector_store %arg9[%swap3A_228, %swap3A_229], %swap3A_232 {strides = array<i32>} : memref<128x64xf32, #tpu.memory_space<vmem>>, vector<1x16xf32>,
        %get3A_233 = arith.index_cast %add3A_212 : i32 to index
        %get3A_234 = arith.constant 32 : index
        %get3A_235 = tpu.vector_load %arg9[%get3A_233, %get3A_234] {strides = array<i32>} : memref<128x64xf32, #tpu.memory_space<vmem>>, vector<1x16xf32>,
        %get3A_236 = vector.shape_cast %get3A_235 : vector<1x16xf32> to vector<16xf32>
        %add3A_237 = arith.addf %get3A_236, %get3A_101 : vector<16xf32>
        %swap3A_238 = arith.index_cast %add3A_212 : i32 to index
        %swap3A_239 = arith.constant 32 : index
        %swap3A_240 = tpu.vector_load %arg9[%swap3A_238, %swap3A_239] {strides = array<i32>} : memref<128x64xf32, #tpu.memory_space<vmem>>, vector<1x16xf32>,
        %swap3A_241 = vector.shape_cast %swap3A_240 : vector<1x16xf32> to vector<16xf32>
        %swap3A_242 = vector.shape_cast %add3A_237 : vector<16xf32> to vector<1x16xf32>
        tpu.vector_store %arg9[%swap3A_238, %swap3A_239], %swap3A_242 {strides = array<i32>} : memref<128x64xf32, #tpu.memory_space<vmem>>, vector<1x16xf32>,
        %get3A_243 = arith.index_cast %add3A_212 : i32 to index
        %get3A_244 = arith.constant 48 : index
        %get3A_245 = tpu.vector_load %arg9[%get3A_243, %get3A_244] {strides = array<i32>} : memref<128x64xf32, #tpu.memory_space<vmem>>, vector<1x16xf32>,
        %get3A_246 = vector.shape_cast %get3A_245 : vector<1x16xf32> to vector<16xf32>
        %add3A_247 = arith.addf %get3A_246, %get3A_105 : vector<16xf32>
        %swap3A_248 = arith.index_cast %add3A_212 : i32 to index
        %swap3A_249 = arith.constant 48 : index
        %swap3A_250 = tpu.vector_load %arg9[%swap3A_248, %swap3A_249] {strides = array<i32>} : memref<128x64xf32, #tpu.memory_space<vmem>>, vector<1x16xf32>,
        %swap3A_251 = vector.shape_cast %swap3A_250 : vector<1x16xf32> to vector<16xf32>
        %swap3A_252 = vector.shape_cast %add3A_247 : vector<16xf32> to vector<1x16xf32>
        tpu.vector_store %arg9[%swap3A_248, %swap3A_249], %swap3A_252 {strides = array<i32>} : memref<128x64xf32, #tpu.memory_space<vmem>>, vector<1x16xf32>,
        %scan3A_253 = arith.constant 3 : i32
        %scan3A_254 = arith.addi %scan3A_117, %scan3A_253 : i32
        %mul3A_255 = arith.constant 1 : i32
        %mul3A_256 = arith.muli %scan3A_254, %mul3A_255 : i32
        %add3A_257 = arith.constant 0 : i32
        %add3A_258 = arith.addi %add3A_257, %mul3A_256 : i32
        %get3A_259 = arith.index_cast %add3A_258 : i32 to index
        %get3A_260 = arith.constant 0 : index
        %get3A_261 = tpu.vector_load %arg9[%get3A_259, %get3A_260] {strides = array<i32>} : memref<128x64xf32, #tpu.memory_space<vmem>>, vector<1x16xf32>,
        %get3A_262 = vector.shape_cast %get3A_261 : vector<1x16xf32> to vector<16xf32>
        %add3A_263 = arith.addf %get3A_262, %get3A_93 : vector<16xf32>
        %swap3A_264 = arith.index_cast %add3A_258 : i32 to index
        %swap3A_265 = arith.constant 0 : index
        %swap3A_266 = tpu.vector_load %arg9[%swap3A_264, %swap3A_265] {strides = array<i32>} : memref<128x64xf32, #tpu.memory_space<vmem>>, vector<1x16xf32>,
        %swap3A_267 = vector.shape_cast %swap3A_266 : vector<1x16xf32> to vector<16xf32>
        %swap3A_268 = vector.shape_cast %add3A_263 : vector<16xf32> to vector<1x16xf32>
        tpu.vector_store %arg9[%swap3A_264, %swap3A_265], %swap3A_268 {strides = array<i32>} : memref<128x64xf32, #tpu.memory_space<vmem>>, vector<1x16xf32>,
        %get3A_269 = arith.index_cast %add3A_258 : i32 to index
        %get3A_270 = arith.constant 16 : index
        %get3A_271 = tpu.vector_load %arg9[%get3A_269, %get3A_270] {strides = array<i32>} : memref<128x64xf32, #tpu.memory_space<vmem>>, vector<1x16xf32>,
        %get3A_272 = vector.shape_cast %get3A_271 : vector<1x16xf32> to vector<16xf32>
        %add3A_273 = arith.addf %get3A_272, %get3A_97 : vector<16xf32>
        %swap3A_274 = arith.index_cast %add3A_258 : i32 to index
        %swap3A_275 = arith.constant 16 : index
        %swap3A_276 = tpu.vector_load %arg9[%swap3A_274, %swap3A_275] {strides = array<i32>} : memref<128x64xf32, #tpu.memory_space<vmem>>, vector<1x16xf32>,
        %swap3A_277 = vector.shape_cast %swap3A_276 : vector<1x16xf32> to vector<16xf32>
        %swap3A_278 = vector.shape_cast %add3A_273 : vector<16xf32> to vector<1x16xf32>
        tpu.vector_store %arg9[%swap3A_274, %swap3A_275], %swap3A_278 {strides = array<i32>} : memref<128x64xf32, #tpu.memory_space<vmem>>, vector<1x16xf32>,
        %get3A_279 = arith.index_cast %add3A_258 : i32 to index
        %get3A_280 = arith.constant 32 : index
        %get3A_281 = tpu.vector_load %arg9[%get3A_279, %get3A_280] {strides = array<i32>} : memref<128x64xf32, #tpu.memory_space<vmem>>, vector<1x16xf32>,
        %get3A_282 = vector.shape_cast %get3A_281 : vector<1x16xf32> to vector<16xf32>
        %add3A_283 = arith.addf %get3A_282, %get3A_101 : vector<16xf32>
        %swap3A_284 = arith.index_cast %add3A_258 : i32 to index
        %swap3A_285 = arith.constant 32 : index
        %swap3A_286 = tpu.vector_load %arg9[%swap3A_284, %swap3A_285] {strides = array<i32>} : memref<128x64xf32, #tpu.memory_space<vmem>>, vector<1x16xf32>,
        %swap3A_287 = vector.shape_cast %swap3A_286 : vector<1x16xf32> to vector<16xf32>
        %swap3A_288 = vector.shape_cast %add3A_283 : vector<16xf32> to vector<1x16xf32>
        tpu.vector_store %arg9[%swap3A_284, %swap3A_285], %swap3A_288 {strides = array<i32>} : memref<128x64xf32, #tpu.memory_space<vmem>>, vector<1x16xf32>,
        %get3A_289 = arith.index_cast %add3A_258 : i32 to index
        %get3A_290 = arith.constant 48 : index
        %get3A_291 = tpu.vector_load %arg9[%get3A_289, %get3A_290] {strides = array<i32>} : memref<128x64xf32, #tpu.memory_space<vmem>>, vector<1x16xf32>,
        %get3A_292 = vector.shape_cast %get3A_291 : vector<1x16xf32> to vector<16xf32>
        %add3A_293 = arith.addf %get3A_292, %get3A_105 : vector<16xf32>
        %swap3A_294 = arith.index_cast %add3A_258 : i32 to index
        %swap3A_295 = arith.constant 48 : index
        %swap3A_296 = tpu.vector_load %arg9[%swap3A_294, %swap3A_295] {strides = array<i32>} : memref<128x64xf32, #tpu.memory_space<vmem>>, vector<1x16xf32>,
        %swap3A_297 = vector.shape_cast %swap3A_296 : vector<1x16xf32> to vector<16xf32>
        %swap3A_298 = vector.shape_cast %add3A_293 : vector<16xf32> to vector<1x16xf32>
        tpu.vector_store %arg9[%swap3A_294, %swap3A_295], %swap3A_298 {strides = array<i32>} : memref<128x64xf32, #tpu.memory_space<vmem>>, vector<1x16xf32>,
        %scan3A_299 = arith.constant 4 : i32
        %scan3A_300 = arith.addi %scan3A_117, %scan3A_299 : i32
        %mul3A_301 = arith.constant 1 : i32
        %mul3A_302 = arith.muli %scan3A_300, %mul3A_301 : i32
        %add3A_303 = arith.constant 0 : i32
        %add3A_304 = arith.addi %add3A_303, %mul3A_302 : i32
        %get3A_305 = arith.index_cast %add3A_304 : i32 to index
        %get3A_306 = arith.constant 0 : index
        %get3A_307 = tpu.vector_load %arg9[%get3A_305, %get3A_306] {strides = array<i32>} : memref<128x64xf32, #tpu.memory_space<vmem>>, vector<1x16xf32>,
        %get3A_308 = vector.shape_cast %get3A_307 : vector<1x16xf32> to vector<16xf32>
        %add3A_309 = arith.addf %get3A_308, %get3A_93 : vector<16xf32>
        %swap3A_310 = arith.index_cast %add3A_304 : i32 to index
        %swap3A_311 = arith.constant 0 : index
        %swap3A_312 = tpu.vector_load %arg9[%swap3A_310, %swap3A_311] {strides = array<i32>} : memref<128x64xf32, #tpu.memory_space<vmem>>, vector<1x16xf32>,
        %swap3A_313 = vector.shape_cast %swap3A_312 : vector<1x16xf32> to vector<16xf32>
        %swap3A_314 = vector.shape_cast %add3A_309 : vector<16xf32> to vector<1x16xf32>
        tpu.vector_store %arg9[%swap3A_310, %swap3A_311], %swap3A_314 {strides = array<i32>} : memref<128x64xf32, #tpu.memory_space<vmem>>, vector<1x16xf32>,
        %get3A_315 = arith.index_cast %add3A_304 : i32 to index
        %get3A_316 = arith.constant 16 : index
        %get3A_317 = tpu.vector_load %arg9[%get3A_315, %get3A_316] {strides = array<i32>} : memref<128x64xf32, #tpu.memory_space<vmem>>, vector<1x16xf32>,
        %get3A_318 = vector.shape_cast %get3A_317 : vector<1x16xf32> to vector<16xf32>
        %add3A_319 = arith.addf %get3A_318, %get3A_97 : vector<16xf32>
        %swap3A_320 = arith.index_cast %add3A_304 : i32 to index
        %swap3A_321 = arith.constant 16 : index
        %swap3A_322 = tpu.vector_load %arg9[%swap3A_320, %swap3A_321] {strides = array<i32>} : memref<128x64xf32, #tpu.memory_space<vmem>>, vector<1x16xf32>,
        %swap3A_323 = vector.shape_cast %swap3A_322 : vector<1x16xf32> to vector<16xf32>
        %swap3A_324 = vector.shape_cast %add3A_319 : vector<16xf32> to vector<1x16xf32>
        tpu.vector_store %arg9[%swap3A_320, %swap3A_321], %swap3A_324 {strides = array<i32>} : memref<128x64xf32, #tpu.memory_space<vmem>>, vector<1x16xf32>,
        %get3A_325 = arith.index_cast %add3A_304 : i32 to index
        %get3A_326 = arith.constant 32 : index
        %get3A_327 = tpu.vector_load %arg9[%get3A_325, %get3A_326] {strides = array<i32>} : memref<128x64xf32, #tpu.memory_space<vmem>>, vector<1x16xf32>,
        %get3A_328 = vector.shape_cast %get3A_327 : vector<1x16xf32> to vector<16xf32>
        %add3A_329 = arith.addf %get3A_328, %get3A_101 : vector<16xf32>
        %swap3A_330 = arith.index_cast %add3A_304 : i32 to index
        %swap3A_331 = arith.constant 32 : index
        %swap3A_332 = tpu.vector_load %arg9[%swap3A_330, %swap3A_331] {strides = array<i32>} : memref<128x64xf32, #tpu.memory_space<vmem>>, vector<1x16xf32>,
        %swap3A_333 = vector.shape_cast %swap3A_332 : vector<1x16xf32> to vector<16xf32>
        %swap3A_334 = vector.shape_cast %add3A_329 : vector<16xf32> to vector<1x16xf32>
        tpu.vector_store %arg9[%swap3A_330, %swap3A_331], %swap3A_334 {strides = array<i32>} : memref<128x64xf32, #tpu.memory_space<vmem>>, vector<1x16xf32>,
        %get3A_335 = arith.index_cast %add3A_304 : i32 to index
        %get3A_336 = arith.constant 48 : index
        %get3A_337 = tpu.vector_load %arg9[%get3A_335, %get3A_336] {strides = array<i32>} : memref<128x64xf32, #tpu.memory_space<vmem>>, vector<1x16xf32>,
        %get3A_338 = vector.shape_cast %get3A_337 : vector<1x16xf32> to vector<16xf32>
        %add3A_339 = arith.addf %get3A_338, %get3A_105 : vector<16xf32>
        %swap3A_340 = arith.index_cast %add3A_304 : i32 to index
        %swap3A_341 = arith.constant 48 : index
        %swap3A_342 = tpu.vector_load %arg9[%swap3A_340, %swap3A_341] {strides = array<i32>} : memref<128x64xf32, #tpu.memory_space<vmem>>, vector<1x16xf32>,
        %swap3A_343 = vector.shape_cast %swap3A_342 : vector<1x16xf32> to vector<16xf32>
        %swap3A_344 = vector.shape_cast %add3A_339 : vector<16xf32> to vector<1x16xf32>
        tpu.vector_store %arg9[%swap3A_340, %swap3A_341], %swap3A_344 {strides = array<i32>} : memref<128x64xf32, #tpu.memory_space<vmem>>, vector<1x16xf32>,
        %scan3A_345 = arith.constant 5 : i32
        %scan3A_346 = arith.addi %scan3A_117, %scan3A_345 : i32
        %mul3A_347 = arith.constant 1 : i32
        %mul3A_348 = arith.muli %scan3A_346, %mul3A_347 : i32
        %add3A_349 = arith.constant 0 : i32
        %add3A_350 = arith.addi %add3A_349, %mul3A_348 : i32
        %get3A_351 = arith.index_cast %add3A_350 : i32 to index
        %get3A_352 = arith.constant 0 : index
        %get3A_353 = tpu.vector_load %arg9[%get3A_351, %get3A_352] {strides = array<i32>} : memref<128x64xf32, #tpu.memory_space<vmem>>, vector<1x16xf32>,
        %get3A_354 = vector.shape_cast %get3A_353 : vector<1x16xf32> to vector<16xf32>
        %add3A_355 = arith.addf %get3A_354, %get3A_93 : vector<16xf32>
        %swap3A_356 = arith.index_cast %add3A_350 : i32 to index
        %swap3A_357 = arith.constant 0 : index
        %swap3A_358 = tpu.vector_load %arg9[%swap3A_356, %swap3A_357] {strides = array<i32>} : memref<128x64xf32, #tpu.memory_space<vmem>>, vector<1x16xf32>,
        %swap3A_359 = vector.shape_cast %swap3A_358 : vector<1x16xf32> to vector<16xf32>
        %swap3A_360 = vector.shape_cast %add3A_355 : vector<16xf32> to vector<1x16xf32>
        tpu.vector_store %arg9[%swap3A_356, %swap3A_357], %swap3A_360 {strides = array<i32>} : memref<128x64xf32, #tpu.memory_space<vmem>>, vector<1x16xf32>,
        %get3A_361 = arith.index_cast %add3A_350 : i32 to index
        %get3A_362 = arith.constant 16 : index
        %get3A_363 = tpu.vector_load %arg9[%get3A_361, %get3A_362] {strides = array<i32>} : memref<128x64xf32, #tpu.memory_space<vmem>>, vector<1x16xf32>,
        %get3A_364 = vector.shape_cast %get3A_363 : vector<1x16xf32> to vector<16xf32>
        %add3A_365 = arith.addf %get3A_364, %get3A_97 : vector<16xf32>
        %swap3A_366 = arith.index_cast %add3A_350 : i32 to index
        %swap3A_367 = arith.constant 16 : index
        %swap3A_368 = tpu.vector_load %arg9[%swap3A_366, %swap3A_367] {strides = array<i32>} : memref<128x64xf32, #tpu.memory_space<vmem>>, vector<1x16xf32>,
        %swap3A_369 = vector.shape_cast %swap3A_368 : vector<1x16xf32> to vector<16xf32>
        %swap3A_370 = vector.shape_cast %add3A_365 : vector<16xf32> to vector<1x16xf32>
        tpu.vector_store %arg9[%swap3A_366, %swap3A_367], %swap3A_370 {strides = array<i32>} : memref<128x64xf32, #tpu.memory_space<vmem>>, vector<1x16xf32>,
        %get3A_371 = arith.index_cast %add3A_350 : i32 to index
        %get3A_372 = arith.constant 32 : index
        %get3A_373 = tpu.vector_load %arg9[%get3A_371, %get3A_372] {strides = array<i32>} : memref<128x64xf32, #tpu.memory_space<vmem>>, vector<1x16xf32>,
        %get3A_374 = vector.shape_cast %get3A_373 : vector<1x16xf32> to vector<16xf32>
        %add3A_375 = arith.addf %get3A_374, %get3A_101 : vector<16xf32>
        %swap3A_376 = arith.index_cast %add3A_350 : i32 to index
        %swap3A_377 = arith.constant 32 : index
        %swap3A_378 = tpu.vector_load %arg9[%swap3A_376, %swap3A_377] {strides = array<i32>} : memref<128x64xf32, #tpu.memory_space<vmem>>, vector<1x16xf32>,
        %swap3A_379 = vector.shape_cast %swap3A_378 : vector<1x16xf32> to vector<16xf32>
        %swap3A_380 = vector.shape_cast %add3A_375 : vector<16xf32> to vector<1x16xf32>
        tpu.vector_store %arg9[%swap3A_376, %swap3A_377], %swap3A_380 {strides = array<i32>} : memref<128x64xf32, #tpu.memory_space<vmem>>, vector<1x16xf32>,
        %get3A_381 = arith.index_cast %add3A_350 : i32 to index
        %get3A_382 = arith.constant 48 : index
        %get3A_383 = tpu.vector_load %arg9[%get3A_381, %get3A_382] {strides = array<i32>} : memref<128x64xf32, #tpu.memory_space<vmem>>, vector<1x16xf32>,
        %get3A_384 = vector.shape_cast %get3A_383 : vector<1x16xf32> to vector<16xf32>
        %add3A_385 = arith.addf %get3A_384, %get3A_105 : vector<16xf32>
        %swap3A_386 = arith.index_cast %add3A_350 : i32 to index
        %swap3A_387 = arith.constant 48 : index
        %swap3A_388 = tpu.vector_load %arg9[%swap3A_386, %swap3A_387] {strides = array<i32>} : memref<128x64xf32, #tpu.memory_space<vmem>>, vector<1x16xf32>,
        %swap3A_389 = vector.shape_cast %swap3A_388 : vector<1x16xf32> to vector<16xf32>
        %swap3A_390 = vector.shape_cast %add3A_385 : vector<16xf32> to vector<1x16xf32>
        tpu.vector_store %arg9[%swap3A_386, %swap3A_387], %swap3A_390 {strides = array<i32>} : memref<128x64xf32, #tpu.memory_space<vmem>>, vector<1x16xf32>,
        %scan3A_391 = arith.constant 6 : i32
        %scan3A_392 = arith.addi %scan3A_117, %scan3A_391 : i32
        %mul3A_393 = arith.constant 1 : i32
        %mul3A_394 = arith.muli %scan3A_392, %mul3A_393 : i32
        %add3A_395 = arith.constant 0 : i32
        %add3A_396 = arith.addi %add3A_395, %mul3A_394 : i32
        %get3A_397 = arith.index_cast %add3A_396 : i32 to index
        %get3A_398 = arith.constant 0 : index
        %get3A_399 = tpu.vector_load %arg9[%get3A_397, %get3A_398] {strides = array<i32>} : memref<128x64xf32, #tpu.memory_space<vmem>>, vector<1x16xf32>,
        %get3A_400 = vector.shape_cast %get3A_399 : vector<1x16xf32> to vector<16xf32>
        %add3A_401 = arith.addf %get3A_400, %get3A_93 : vector<16xf32>
        %swap3A_402 = arith.index_cast %add3A_396 : i32 to index
        %swap3A_403 = arith.constant 0 : index
        %swap3A_404 = tpu.vector_load %arg9[%swap3A_402, %swap3A_403] {strides = array<i32>} : memref<128x64xf32, #tpu.memory_space<vmem>>, vector<1x16xf32>,
        %swap3A_405 = vector.shape_cast %swap3A_404 : vector<1x16xf32> to vector<16xf32>
        %swap3A_406 = vector.shape_cast %add3A_401 : vector<16xf32> to vector<1x16xf32>
        tpu.vector_store %arg9[%swap3A_402, %swap3A_403], %swap3A_406 {strides = array<i32>} : memref<128x64xf32, #tpu.memory_space<vmem>>, vector<1x16xf32>,
        %get3A_407 = arith.index_cast %add3A_396 : i32 to index
        %get3A_408 = arith.constant 16 : index
        %get3A_409 = tpu.vector_load %arg9[%get3A_407, %get3A_408] {strides = array<i32>} : memref<128x64xf32, #tpu.memory_space<vmem>>, vector<1x16xf32>,
        %get3A_410 = vector.shape_cast %get3A_409 : vector<1x16xf32> to vector<16xf32>
        %add3A_411 = arith.addf %get3A_410, %get3A_97 : vector<16xf32>
        %swap3A_412 = arith.index_cast %add3A_396 : i32 to index
        %swap3A_413 = arith.constant 16 : index
        %swap3A_414 = tpu.vector_load %arg9[%swap3A_412, %swap3A_413] {strides = array<i32>} : memref<128x64xf32, #tpu.memory_space<vmem>>, vector<1x16xf32>,
        %swap3A_415 = vector.shape_cast %swap3A_414 : vector<1x16xf32> to vector<16xf32>
        %swap3A_416 = vector.shape_cast %add3A_411 : vector<16xf32> to vector<1x16xf32>
        tpu.vector_store %arg9[%swap3A_412, %swap3A_413], %swap3A_416 {strides = array<i32>} : memref<128x64xf32, #tpu.memory_space<vmem>>, vector<1x16xf32>,
        %get3A_417 = arith.index_cast %add3A_396 : i32 to index
        %get3A_418 = arith.constant 32 : index
        %get3A_419 = tpu.vector_load %arg9[%get3A_417, %get3A_418] {strides = array<i32>} : memref<128x64xf32, #tpu.memory_space<vmem>>, vector<1x16xf32>,
        %get3A_420 = vector.shape_cast %get3A_419 : vector<1x16xf32> to vector<16xf32>
        %add3A_421 = arith.addf %get3A_420, %get3A_101 : vector<16xf32>
        %swap3A_422 = arith.index_cast %add3A_396 : i32 to index
        %swap3A_423 = arith.constant 32 : index
        %swap3A_424 = tpu.vector_load %arg9[%swap3A_422, %swap3A_423] {strides = array<i32>} : memref<128x64xf32, #tpu.memory_space<vmem>>, vector<1x16xf32>,
        %swap3A_425 = vector.shape_cast %swap3A_424 : vector<1x16xf32> to vector<16xf32>
        %swap3A_426 = vector.shape_cast %add3A_421 : vector<16xf32> to vector<1x16xf32>
        tpu.vector_store %arg9[%swap3A_422, %swap3A_423], %swap3A_426 {strides = array<i32>} : memref<128x64xf32, #tpu.memory_space<vmem>>, vector<1x16xf32>,
        %get3A_427 = arith.index_cast %add3A_396 : i32 to index
        %get3A_428 = arith.constant 48 : index
        %get3A_429 = tpu.vector_load %arg9[%get3A_427, %get3A_428] {strides = array<i32>} : memref<128x64xf32, #tpu.memory_space<vmem>>, vector<1x16xf32>,
        %get3A_430 = vector.shape_cast %get3A_429 : vector<1x16xf32> to vector<16xf32>
        %add3A_431 = arith.addf %get3A_430, %get3A_105 : vector<16xf32>
        %swap3A_432 = arith.index_cast %add3A_396 : i32 to index
        %swap3A_433 = arith.constant 48 : index
        %swap3A_434 = tpu.vector_load %arg9[%swap3A_432, %swap3A_433] {strides = array<i32>} : memref<128x64xf32, #tpu.memory_space<vmem>>, vector<1x16xf32>,
        %swap3A_435 = vector.shape_cast %swap3A_434 : vector<1x16xf32> to vector<16xf32>
        %swap3A_436 = vector.shape_cast %add3A_431 : vector<16xf32> to vector<1x16xf32>
        tpu.vector_store %arg9[%swap3A_432, %swap3A_433], %swap3A_436 {strides = array<i32>} : memref<128x64xf32, #tpu.memory_space<vmem>>, vector<1x16xf32>,
        %scan3A_437 = arith.constant 7 : i32
        %scan3A_438 = arith.addi %scan3A_117, %scan3A_437 : i32
        %mul3A_439 = arith.constant 1 : i32
        %mul3A_440 = arith.muli %scan3A_438, %mul3A_439 : i32
        %add3A_441 = arith.constant 0 : i32
        %add3A_442 = arith.addi %add3A_441, %mul3A_440 : i32
        %get3A_443 = arith.index_cast %add3A_442 : i32 to index
        %get3A_444 = arith.constant 0 : index
        %get3A_445 = tpu.vector_load %arg9[%get3A_443, %get3A_444] {strides = array<i32>} : memref<128x64xf32, #tpu.memory_space<vmem>>, vector<1x16xf32>,
        %get3A_446 = vector.shape_cast %get3A_445 : vector<1x16xf32> to vector<16xf32>
        %add3A_447 = arith.addf %get3A_446, %get3A_93 : vector<16xf32>
        %swap3A_448 = arith.index_cast %add3A_442 : i32 to index
        %swap3A_449 = arith.constant 0 : index
        %swap3A_450 = tpu.vector_load %arg9[%swap3A_448, %swap3A_449] {strides = array<i32>} : memref<128x64xf32, #tpu.memory_space<vmem>>, vector<1x16xf32>,
        %swap3A_451 = vector.shape_cast %swap3A_450 : vector<1x16xf32> to vector<16xf32>
        %swap3A_452 = vector.shape_cast %add3A_447 : vector<16xf32> to vector<1x16xf32>
        tpu.vector_store %arg9[%swap3A_448, %swap3A_449], %swap3A_452 {strides = array<i32>} : memref<128x64xf32, #tpu.memory_space<vmem>>, vector<1x16xf32>,
        %get3A_453 = arith.index_cast %add3A_442 : i32 to index
        %get3A_454 = arith.constant 16 : index
        %get3A_455 = tpu.vector_load %arg9[%get3A_453, %get3A_454] {strides = array<i32>} : memref<128x64xf32, #tpu.memory_space<vmem>>, vector<1x16xf32>,
        %get3A_456 = vector.shape_cast %get3A_455 : vector<1x16xf32> to vector<16xf32>
        %add3A_457 = arith.addf %get3A_456, %get3A_97 : vector<16xf32>
        %swap3A_458 = arith.index_cast %add3A_442 : i32 to index
        %swap3A_459 = arith.constant 16 : index
        %swap3A_460 = tpu.vector_load %arg9[%swap3A_458, %swap3A_459] {strides = array<i32>} : memref<128x64xf32, #tpu.memory_space<vmem>>, vector<1x16xf32>,
        %swap3A_461 = vector.shape_cast %swap3A_460 : vector<1x16xf32> to vector<16xf32>
        %swap3A_462 = vector.shape_cast %add3A_457 : vector<16xf32> to vector<1x16xf32>
        tpu.vector_store %arg9[%swap3A_458, %swap3A_459], %swap3A_462 {strides = array<i32>} : memref<128x64xf32, #tpu.memory_space<vmem>>, vector<1x16xf32>,
        %get3A_463 = arith.index_cast %add3A_442 : i32 to index
        %get3A_464 = arith.constant 32 : index
        %get3A_465 = tpu.vector_load %arg9[%get3A_463, %get3A_464] {strides = array<i32>} : memref<128x64xf32, #tpu.memory_space<vmem>>, vector<1x16xf32>,
        %get3A_466 = vector.shape_cast %get3A_465 : vector<1x16xf32> to vector<16xf32>
        %add3A_467 = arith.addf %get3A_466, %get3A_101 : vector<16xf32>
        %swap3A_468 = arith.index_cast %add3A_442 : i32 to index
        %swap3A_469 = arith.constant 32 : index
        %swap3A_470 = tpu.vector_load %arg9[%swap3A_468, %swap3A_469] {strides = array<i32>} : memref<128x64xf32, #tpu.memory_space<vmem>>, vector<1x16xf32>,
        %swap3A_471 = vector.shape_cast %swap3A_470 : vector<1x16xf32> to vector<16xf32>
        %swap3A_472 = vector.shape_cast %add3A_467 : vector<16xf32> to vector<1x16xf32>
        tpu.vector_store %arg9[%swap3A_468, %swap3A_469], %swap3A_472 {strides = array<i32>} : memref<128x64xf32, #tpu.memory_space<vmem>>, vector<1x16xf32>,
        %get3A_473 = arith.index_cast %add3A_442 : i32 to index
        %get3A_474 = arith.constant 48 : index
        %get3A_475 = tpu.vector_load %arg9[%get3A_473, %get3A_474] {strides = array<i32>} : memref<128x64xf32, #tpu.memory_space<vmem>>, vector<1x16xf32>,
        %get3A_476 = vector.shape_cast %get3A_475 : vector<1x16xf32> to vector<16xf32>
        %add3A_477 = arith.addf %get3A_476, %get3A_105 : vector<16xf32>
        %swap3A_478 = arith.index_cast %add3A_442 : i32 to index
        %swap3A_479 = arith.constant 48 : index
        %swap3A_480 = tpu.vector_load %arg9[%swap3A_478, %swap3A_479] {strides = array<i32>} : memref<128x64xf32, #tpu.memory_space<vmem>>, vector<1x16xf32>,
        %swap3A_481 = vector.shape_cast %swap3A_480 : vector<1x16xf32> to vector<16xf32>
        %swap3A_482 = vector.shape_cast %add3A_477 : vector<16xf32> to vector<1x16xf32>
        tpu.vector_store %arg9[%swap3A_478, %swap3A_479], %swap3A_482 {strides = array<i32>} : memref<128x64xf32, #tpu.memory_space<vmem>>, vector<1x16xf32>,
      }
      %scan3A_110 = arith.constant 128 : i32
      %dma_start3A_111 = arith.constant 0 : i32
      %dma_start3A_112 = tpu.memref_slice %arg5[%mul3A_2, %add3A_71, %dma_start3A_111] : memref<4096x200x64xf32, #tpu.memory_space<hbm>> -> memref<128x1x64xf32, #tpu.memory_space<hbm>>
      %dma_start3A_113 = tpu.memref_squeeze %dma_start3A_112 : memref<128x1x64xf32, #tpu.memory_space<hbm>> -> memref<128x64xf32, #tpu.memory_space<hbm>>
      %dma_start3A_114 = arith.constant 0 : i32
      %dma_start3A_115 = tpu.memref_slice %arg5[%mul3A_2, %add3A_71, %dma_start3A_114] : memref<4096x200x64xf32, #tpu.memory_space<hbm>> -> memref<128x1x64xf32, #tpu.memory_space<hbm>>
      %dma_start3A_116 = tpu.memref_squeeze %dma_start3A_115 : memref<128x1x64xf32, #tpu.memory_space<hbm>> -> memref<128x64xf32, #tpu.memory_space<hbm>>
      tpu.enqueue_dma source(%arg9 : memref<128x64xf32, #tpu.memory_space<vmem>>) target(%dma_start3A_116 : memref<128x64xf32, #tpu.memory_space<hbm>>) target_semaphore(%arg11 : memref<!tpu.dma_semaphore, #tpu.memory_space<semaphore_mem>>)
    }
    %scan3A_12 = arith.constant 100 : i32
    %dma_wait3A = arith.constant 0 : i32
    %dma_wait3A_13 = arith.constant 0 : i32
    %dma_wait3A_14 = tpu.memref_slice %arg5[%mul3A_2, %dma_wait3A, %dma_wait3A_13] : memref<4096x200x64xf32, #tpu.memory_space<hbm>> -> memref<128x1x64xf32, #tpu.memory_space<hbm>>
    %dma_wait3A_15 = tpu.memref_squeeze %dma_wait3A_14 : memref<128x1x64xf32, #tpu.memory_space<hbm>> -> memref<128x64xf32, #tpu.memory_space<hbm>>
    %dma_wait3A_16 = arith.constant 0 : i32
    %dma_wait3A_17 = tpu.memref_slice %arg5[%mul3A_2, %dma_wait3A, %dma_wait3A_16] : memref<4096x200x64xf32, #tpu.memory_space<hbm>> -> memref<128x1x64xf32, #tpu.memory_space<hbm>>
    %dma_wait3A_18 = tpu.memref_squeeze %dma_wait3A_17 : memref<128x1x64xf32, #tpu.memory_space<hbm>> -> memref<128x64xf32, #tpu.memory_space<hbm>>
    tpu.wait_dma2 semaphore(%arg11 : memref<!tpu.dma_semaphore, #tpu.memory_space<semaphore_mem>>) src(%arg9 : memref<128x64xf32, #tpu.memory_space<vmem>>) dst(%dma_wait3A_18 : memref<128x64xf32, #tpu.memory_space<hbm>>)
    return
  }
}

</mosaic_0001>

<sc_bundles>
// kernel: kernel.3.cloned.1.call-start
scs
__scs_entry_jumppad:
0x0: {  	(pc) =	sbr.rel $0x88, $3  }
0x1: {  	(tag) =	ssettag $0x0;
	lr =	simm.s32 $0x1  }
0x2: {  	[smem:$0x3F9F] =	sst lr;
	_ =	strace $0xD0000000  }
0x3: {  	_ = 	snop  }
0x4: {  	_ = 	snop  }
0x5: {  	_ = 	snop  }
0x6: {  	_ = 	snop  }
0x7: {  	_ = 	snop  }
__scs_overlays_trampoline_lowered:
0x8: {  	[smem:$0x3FAE] =	sst s0  }
0x9: {  	[smem:$0x3FAF] =	sst s1  }
0xa: {  	[smem:$0x3FB0] =	sst s2  }
0xb: {  	[smem:$0x3FB1] =	sst s3  }
0xc: {  	[smem:$0x3FB2] =	sst s4  }
0xd: {  	[smem:$0x3FB3] =	sst s5  }
0xe: {  	[smem:$0x3FB4] =	sst s6  }
0xf: {  	[smem:$0x3FB5] =	sst s7  }
0x10: {  	[smem:$0x3FB6] =	sst s8  }
0x11: {  	[smem:$0x3FB7] =	sst s9;
	s0 =	simm.s32 @!p0 $0x0  }
0x12: {  	s1 =	sld [smem:$0x3F9D];
	s0 =	simm.s32 @p0 $0x1  }
0x13: {  	[smem:$0x3FB8] =	sst s0;
	s0 =	simm.s32 @!p1 $0x0  }
0x14: {  	s2 =	sld [smem:$0x3F9C];
	s0 =	simm.s32 @p1 $0x1  }
0x15: {  	[smem:$0x3FB9] =	sst s0;
	s0 =	simm.s32 @!p2 $0x0  }
0x16: {  	s3 =	sld [smem:$0x3FDB];
	s0 =	simm.s32 @p2 $0x1  }
0x17: {  	s4 =	simm.s32 $0x1BF5;
	[smem:$0x3FBB] =	sst s0  }
0x18: {  	s0 =	sld [smem:$0x3F9E];
	_ =	swait.ge [sflag:s4], $0x0  }
0x19: {  	s7 =	sld [smem:$0x3F9F]  }
0x1a: {  	s8 =	sadd.s32 $0xFFFFE003, lr  }
0x1b: {  	s9 =	sadd.s32 $0xFFFFFEF7, lr;
	s5 =	simm.s32 $0xFFFFFFFF;
	p2 =	slt.u32 s8, $0xFFFFF086  }
0x1c: {  	p1 =	slt.u32 s9, $0xF7A;
	s5 =	simm.s32 @!p2 $0x0  }
0x1d: {  	s5 =	simm.s32 @p1 $0x1;
	p0 =	seq.s32 s7, s2  }
0x1e: {  	s7 =	smul.u32 @!p0 $0xF7A, s2;
	p2 =	seq.s32 @!p0 s5, $0x0  }
0x1f: {  	s9 =	smul.u32 $0xF7A, s1;
	s8 =	simm.s32 @!p0 $0x1BF5;
	p2 =	por !p2, p0  }
0x20: {  	[sflag:s8] =	ssyncset.s32 @!p0 $0xFFFFF086;
	s6 =	sadd.s32 @!p0 s3, s7;
	s7 =	simm.s32 @!p0 $0x108  }
0x21: {  	s3 =	sadd.s32 s3, s9;
	s6 =	sadd.s32 @!p0 $0x88, s6;
	s7 =	simm.s32 @p2 $0x1082  }
0x22: {  	[simem:s7], [sflag:s8] =	dma.local @!p0 [hbm:s6], $0xF7A  }
0x23: {  	s9 =	sor.u32 $0xD0000000, s2;
	s6 =	simm.s32 $0x108;
	_ =	swait.ge @!p0 [sflag:s8], $0x0  }
0x24: {  	s3 =	sadd.s32 $0x88, s3;
	s6 =	simm.s32 @!p1 $0x1082;
	[sflag:s4] =	ssyncset.s32 $0xFFFFF086  }
0x25: {  	[simem:s6], [sflag:s4] =	dma.local [hbm:s3], $0xF7A  }
0x26: {  	[smem:$0x3F9F] =	sst s1;
	(tag) =	ssettag s2;
	_ =	strace s9  }
0x27: {  	s1 =	sld [smem:$0x3FAF]  }
0x28: {  	s2 =	sld [smem:$0x3FB0]  }
0x29: {  	s4 =	sld [smem:$0x3FB2]  }
0x2a: {  	p0 =	seq.s32 s5, $0x0;
	s5 =	sld [smem:$0x3FB3]  }
0x2b: {  	s6 =	sld [smem:$0x3FB4]  }
0x2c: {  	s7 =	sld [smem:$0x3FB5]  }
0x2d: {  	s3 =	simm.s32 $0x108;
	s8 =	sld [smem:$0x3FB6]  }
0x2e: {  	s3 =	simm.s32 @!p0 $0x1082;
	s9 =	sld [smem:$0x3FB7]  }
0x2f: {  	lr =	sadd.s32 s0, s3;
	s0 =	sld [smem:$0x3FAE]  }
0x30: {  	s3 =	sld [smem:$0x3FB1]  }
0x31: {  	[smem:$0x3FBA] =	sst s10  }
0x32: {  	s10 =	sld [smem:$0x3FB8];
	_ =	sdelay $0x3  }
0x33: {  	p0 =	seq.s32 s10, $0x1;
	s10 =	sld [smem:$0x3FBA];
	_ =	sdelay $0x3  }
0x34: {  	[smem:$0x3FBA] =	sst s10  }
0x35: {  	s10 =	sld [smem:$0x3FB9];
	_ =	sdelay $0x3  }
0x36: {  	p1 =	seq.s32 s10, $0x1;
	s10 =	sld [smem:$0x3FBA];
	_ =	sdelay $0x3  }
0x37: {  	[smem:$0x3FBA] =	sst s10  }
0x38: {  	s10 =	sld [smem:$0x3FBB]  }
0x39: {  	_ = 	snop;
	(pc) =	sbr.ind lr, $3  }
0x3a: {  	_ = 	snop  }
0x3b: {  	_ = 	snop  }
0x3c: {  	p2 =	seq.s32 s10, $0x1;
	s10 =	sld [smem:$0x3FBA]  }
0x3d: {  	_ =	shalt  }
0x3e: {  	_ =	shalt  }
0x3f: {  	_ =	shalt  }
0x40: {  	_ =	shalt  }
0x41: {  	_ =	shalt  }
0x42: {  	_ =	shalt  }
0x43: {  	_ =	shalt  }
0x44: {  	_ =	shalt  }
0x45: {  	_ =	shalt  }
0x46: {  	_ =	shalt  }
0x47: {  	_ =	shalt  }
0x48: {  	_ =	shalt  }
0x49: {  	_ =	shalt  }
0x4a: {  	_ =	shalt  }
0x4b: {  	_ =	shalt  }
0x4c: {  	_ =	shalt  }
0x4d: {  	_ =	shalt  }
0x4e: {  	_ =	shalt  }
0x4f: {  	_ =	shalt  }
0x50: {  	_ =	shalt  }
0x51: {  	_ =	shalt  }
0x52: {  	_ =	shalt  }
0x53: {  	_ =	shalt  }
0x54: {  	_ =	shalt  }
0x55: {  	_ =	shalt  }
0x56: {  	_ =	shalt  }
0x57: {  	_ =	shalt  }
0x58: {  	_ =	shalt  }
0x59: {  	_ =	shalt  }
0x5a: {  	_ =	shalt  }
0x5b: {  	_ =	shalt  }
0x5c: {  	_ =	shalt  }
0x5d: {  	_ =	shalt  }
0x5e: {  	_ =	shalt  }
0x5f: {  	_ =	shalt  }
0x60: {  	_ =	shalt  }
0x61: {  	_ =	shalt  }
0x62: {  	_ =	shalt  }
0x63: {  	_ =	shalt  }
0x64: {  	_ =	shalt  }
0x65: {  	_ =	shalt  }
0x66: {  	_ =	shalt  }
0x67: {  	_ =	shalt  }
0x68: {  	_ =	shalt  }
0x69: {  	_ =	shalt  }
0x6a: {  	_ =	shalt  }
0x6b: {  	_ =	shalt  }
0x6c: {  	_ =	shalt  }
0x6d: {  	_ =	shalt  }
0x6e: {  	_ =	shalt  }
0x6f: {  	_ =	shalt  }
0x70: {  	_ =	shalt  }
0x71: {  	_ =	shalt  }
0x72: {  	_ =	shalt  }
0x73: {  	_ =	shalt  }
0x74: {  	_ =	shalt  }
0x75: {  	_ =	shalt  }
0x76: {  	_ =	shalt  }
0x77: {  	_ =	shalt  }
0x78: {  	_ =	shalt  }
0x79: {  	_ =	shalt  }
0x7a: {  	_ =	shalt  }
0x7b: {  	_ =	shalt  }
0x7c: {  	_ =	shalt  }
0x7d: {  	_ =	shalt  }
0x7e: {  	_ =	shalt  }
0x7f: {  	_ =	shalt  }
0x80: {  	_ =	shalt  }
0x81: {  	_ =	shalt  }
0x82: {  	_ =	shalt  }
0x83: {  	_ =	shalt  }
0x84: {  	_ =	shalt  }
0x85: {  	_ =	shalt  }
0x86: {  	_ =	shalt  }
0x87: {  	_ =	shalt  }
.Lfunc_end0:
.L_simem_size_0:
called_computation.1_lowered:
.L_overlay_start_0:
0x88: {  	s2 =	sld [smem:$0x3FD9]  }
0x89: {  	s3 =	sld [smem:$0x3FFE];
	_ =	sdelay $0x1  }
0x8a: {  	s1 =	srdreg.scid  }
0x8b: {  	s0 =	sand.u32 $0x1, s1  }
0x8c: {  	s17 =	sshll.u32 s0, $0xA;
	s2 =	sadd.s32 s3, s2  }
0x8d: {  	s2 =	sadd.s32 s2, s17  }
0x8e: {  	[smem:$0x3FC6] =	sst s2  }
0x8f: {  	_ = 	snop  }
0x90: {  	s2 =	sld [smem:$0x3FD0];
	(tm) =	ssettm $0x1  }
0x91: {  	s18 =	sld [smem:$0x3FFB];
	_ =	sdelay $0x3  }
0x92: {  	_ =	strace s18  }
0x93: {  	s3 =	sld [smem:$0x3FFC];
	_ =	sdelay $0x3  }
0x94: {  	_ =	strace s3  }
0x95: {  	s3 =	sld [smem:$0x3FFD];
	_ =	sdelay $0x3  }
0x96: {  	_ =	strace s3  }
0x97: {  	_ =	strace $0x8FFFFFFF  }
0x98: {  	s19 =	sld [smem:$0x3FDB];
	_ =	sdelay $0x1  }
0x99: {  	s4 =	simm.s32 $_scs_section_size  }
0x9a: {  	s5 =	simm.s32 $_size__tile_overlayer_lowered;
	s6 =	simm.s32 $_tile_overlayer_lowered  }
0x9b: {  	s22 =	simm.s32 $0x1BFF;
	s21 =	sshll.u32 s6, $0x1;
	s3 =	sadd.s32 s4, s19  }
0x9c: {  	s7 =	simm.s32 $0x0;
	s20 =	sshll.u32 s5, $0x1;
	s5 =	sadd.s32 s21, s3  }
0x9d: {  	[timem:s7], [sflag:s22] =	dma.local [hbm:s5], s20  }
0x9e: {  	_ =	swait.ge [sflag:s22], s20  }
0x9f: {  	s4 =	ssub.s32 $0x0, s20;
	[sflag:s22] =	ssyncset.done $0x0  }
0xa0: {  	[sflag:s22] =	ssyncadd.s32 s4;
	_ =	sdelay $0x1  }
0xa1: {  	s23 =	simm.s32 $0x1B8B  }
0xa2: {  	_ =	swait.ge [sflag:s23], $0x1  }
0xa3: {  	[sflag:s23] =	ssyncset.done $0x0  }
0xa4: {  	s25 =	simm.s32 $0x1B8E;
	s24 =	sld [smem:$0x3FFE];
	[sflag:s23] =	ssyncadd.s32 $0xFFFFFFFF  }
0xa5: {  	s26 =	simm.s32 $execute0_lowered;
	[smem:$0x3FD2] =	sst s25  }
0xa6: {  	s5 =	sshll.u32 s26, $0x1;
	_ =	strace $0x80000046;
	[dreg:$0x1] =	wrdreg $0xFFFFFFFF  }
0xa7: {  	s28 =	simm.s32 $_size_execute0_lowered;
	s3 =	sadd.s32 s3, s5;
	[dreg:$0x0] =	wrdreg $0x0  }
0xa8: {  	s5 =	sshll.u32 s28, $0x1;
	[dreg:$0x2] =	wrdreg s3  }
0xa9: {  	[dreg:$0x3] =	wrdreg s5  }
0xaa: {  	[dreg:$0x4] =	wrdreg $0xC0  }
0xab: {  	_ =	task [dreg:s7], $0x5FFFF  }
0xac: {  	[dreg:$0x1] =	wrdreg $0xFFFFFFFF  }
0xad: {  	[dreg:$0x0] =	wrdreg $0x60  }
0xae: {  	[dreg:$0x2] =	wrdreg s24  }
0xaf: {  	[dreg:$0x3] =	wrdreg s2  }
0xb0: {  	[dreg:$0x4] =	wrdreg $0x9  }
0xb1: {  	_ =	task.clear_ibuf [dreg:s7], $0x5FFFF;
	_ =	strace $0x90000046  }
0xb2: {  	s29 =	simm.s32 $0x9;
	_ =	strace $0x80000048  }
0xb3: {  	_ =	swait.ge [sflag:s29], $0x1  }
0xb4: {  	[sflag:s29] =	ssyncadd.s32 $0xFFFFFFFF  }
0xb5: {  	_ =	strace $0x90000048  }
0xb6: {  	_ =	sfence  }
0xb7: {  	s30 =	sld [smem:$0x0];
	_ =	sdelay $0x2  }
0xb8: {  	s31 =	sshll.u32 s1, $0xD;
	s1 =	sshrl.u32 s1, $0x2  }
0xb9: {  	s3 =	sand.u32 $0x4000, s31;
	s1 =	sadd.s32 s1, s30  }
0xba: {  	s0 =	sor.u32 s3, s0;
	s1 =	sshll.u32 s1, $0x11  }
0xbb: {  	s0 =	sor.u32 s1, s0  }
0xbc: {  	s0 =	sadd.s32 $0x8F2B, s0  }
0xbd: {  	[sflag:s0] =	ssyncadd.remote.s32 $0x1  }
0xbe: {  	_ =	sfence.sel $0xFFFF  }
0xbf: {  	[dreg:$0x0] =	wrdreg $0xFFFFFFFF;
	(pc) =	sbr.abs _section_cstart, $3  }
0xc0: {  	[dreg:$0x1] =	wrdreg $0xFFFFFFFF  }
0xc1: {  	_ =	task.clear_ibuf [dreg:s7], $0x2FFFF;
	_ =	strace $0x9FFFFFFF  }
0xc2: {  	(tm) =	ssettm $0x7FFFFFFF  }
0xc3: {  	_ =	shalt  }
tec
execute0_lowered:
.L_overlay_start_1:
0x0: {  	(tag) =	ssettag $0x1  }
0x1: {  	s5 =	rddreg [dreg:$0x0];
	s1 =	srdreg.scid  }
0x2: {  	s0 =	stileid.u32;
	s2 =	rddreg [dreg:$0x1]  }
0x3: {  	s3 =	simm.s32 $0x0;
	s10 =	simm.s32 $0x6400;
	s11 =	simm.s32 $0x80  }
0x4: {  	s12 =	simm.s32 $0x9600;
	s13 =	simm.s32 $0x1;
	s14 =	simm.s32 $0xB600  }
0x5: {  	s15 =	simm.s32 $0x40;
	s16 =	simm.s32 $0x3200;
	s17 =	simm.s32 $0x2  }
0x6: {  	s4 =	sand.u32 $0x1, s1;
	s6 =	sshll.u32 s0, $0x1;
	s1 =	rddreg [dreg:$0x2]  }
0x7: {  	s18 =	simm.s32 $0x0;
	[smem:$0x7FF] =	sst s3;
	s7 =	sor.u32 s4, s6  }
0x8: {  	_ =	strace $0x80000047;
	s8 =	ssub.s32 $0x2, s4;
	s6 =	smul.u32 $0xC80, s7  }
0x9: {  	s4 =	sadd.s32 $0xF43000, s5;
	s9 =	sshrl.u32 s8, $0x1;
	s7 =	smul.u32 $0x190000, s7  }
0xa: {  	s8 =	ssub.s32 s8, s9;
	s9 =	simm.s32 $0x3;
	s6 =	sadd.s32 s6, s5  }
0xb: {  	s5 =	sadd.s32 $0x400, s5;
	s8 =	smax.u32 s8, $0x1;
	s6 =	sadd.s32 $0xC00, s6  }
.LBB2_1:
0xc: {  	[tilespmem:s3], [sflag:$0x3] =	stream.linear.gather [hbm4b:s6+s3], $0x6400, $0x38;
	[tilespmem:$0xD600] =	vst v63  }
0xd: {  	_ =	swait.ge [sflag:s9], $0x6400  }
0xe: {  	[sflag:s9] =	ssyncset.done $0x0  }
0xf: {  	[sflag:s9] =	ssyncadd.s32 $0xFFFF9C00  }
0x10: {  	[tilespmem:s10], [sflag:$0x3] =	stream.linear.gather [hbm4b:s5+s3], $0x3200, $0x38;
	[tilespmem:$0xD600] =	vst v63  }
0x11: {  	_ =	swait.ge [sflag:s9], $0x3200  }
0x12: {  	[sflag:s9] =	ssyncset.done $0x0  }
0x13: {  	s19 =	simm.s32 $0x0;
	[sflag:s9] =	ssyncadd.s32 $0xFFFFCE00  }
0x14: {  	[tilespmem:s12], [sflag:$0x1] =	stream.indirect.gather [hbm4b:s4+s11], $0x40, s3, s11, $0xb8;
	[tilespmem:$0xD600] =	vst v63  }
.LBB2_2:
0x15: {  	_ =	swait.ge [sflag:s13], $0x2000  }
0x16: {  	p0 =	seq.s32 s19, $0x0;
	[sflag:s13] =	ssyncset.done $0x0  }
0x17: {  	s20 =	sshll.u32 s19, $0x1;
	s21 =	simm.s32 @!p0 $0x2;
	[sflag:s13] =	ssyncadd.s32 $0xFFFFE000  }
0x18: {  	s20 =	sor.u32 $0x1, s20;
	_ =	swait.ge @!p0 [sflag:s21], $0x2000  }
0x19: {  	s22 =	sshll.u32 s20, $0x7;
	[sflag:s21] =	ssyncset.done @!p0 $0x0  }
0x1a: {  	s31 =	sand.u32 $0x3FFFFF80, s22;
	[sflag:s21] =	ssyncadd.s32 @!p0 $0xFFFFE000;
	s21 =	sshll.u32 s19, $0x7  }
0x1b: {  	[tilespmem:s14], [sflag:$0x1] =	stream.indirect.gather [hbm4b:s4+s11], $0x40, s31, s11, $0xb8;
	[tilespmem:$0xD600] =	vst v63  }
0x1c: {  	v3 =	vld [tilespmem:s21+$0x6400]  }
0x1d: {  	v2 =	vld [tilespmem:s21+$0x6410]  }
0x1e: {  	v1 =	vld [tilespmem:s21+$0x6420]  }
0x1f: {  	s22 =	simm.s32 $0x9700;
	v0 =	vld [tilespmem:s21+$0x6430]  }
0x20: {  	v4 =	vld [tilespmem:s22+$0xFFFFFF00]  }
0x21: {  	v5 =	vld [tilespmem:s22+$0xFFFFFF10]  }
0x22: {  	v6 =	vld [tilespmem:s22+$0xFFFFFF20]  }
0x23: {  	v7 =	vld [tilespmem:s22+$0xFFFFFF30]  }
0x24: {  	v8 =	vld [tilespmem:s22+$0xFFFFFF40]  }
0x25: {  	v9 =	vld [tilespmem:s22+$0xFFFFFF50];
	v4 =	vadd.f32 v4, v3  }
0x26: {  	v10 =	vld [tilespmem:s22+$0xFFFFFF60];
	v5 =	vadd.f32 v5, v2  }
0x27: {  	[tilespmem:s22+$0xFFFFFF00] =	vst v4;
	v4 =	vadd.f32 v6, v1;
	v6 =	vld [tilespmem:s22+$0xFFFFFF70]  }
0x28: {  	[tilespmem:s22+$0xFFFFFF10] =	vst v5;
	v5 =	vadd.f32 v7, v0;
	v7 =	vld [tilespmem:s22+$0xFFFFFF80]  }
0x29: {  	[tilespmem:s22+$0xFFFFFF20] =	vst v4;
	v4 =	vadd.f32 v8, v3;
	v8 =	vld [tilespmem:s22+$0xFFFFFF90]  }
0x2a: {  	[tilespmem:s22+$0xFFFFFF30] =	vst v5;
	v5 =	vadd.f32 v9, v2;
	v9 =	vld [tilespmem:s22+$0xFFFFFFA0]  }
0x2b: {  	[tilespmem:s22+$0xFFFFFF40] =	vst v4;
	v4 =	vadd.f32 v10, v1;
	v10 =	vld [tilespmem:s22+$0xFFFFFFB0]  }
0x2c: {  	[tilespmem:s22+$0xFFFFFF50] =	vst v5;
	v5 =	vadd.f32 v6, v0;
	v6 =	vld [tilespmem:s22+$0xFFFFFFC0]  }
0x2d: {  	[tilespmem:s22+$0xFFFFFF60] =	vst v4;
	v4 =	vadd.f32 v7, v3;
	v7 =	vld [tilespmem:s22+$0xFFFFFFD0]  }
0x2e: {  	[tilespmem:s22+$0xFFFFFF70] =	vst v5;
	v5 =	vadd.f32 v8, v2;
	v8 =	vld [tilespmem:s22+$0xFFFFFFE0]  }
0x2f: {  	[tilespmem:s22+$0xFFFFFF80] =	vst v4;
	v4 =	vadd.f32 v9, v1;
	v9 =	vld [tilespmem:s22+$0x0]  }
0x30: {  	[tilespmem:s22+$0xFFFFFF90] =	vst v5;
	v5 =	vadd.f32 v10, v0;
	v10 =	vld [tilespmem:s22+$0x10]  }
0x31: {  	[tilespmem:s22+$0xFFFFFFA0] =	vst v4;
	v4 =	vadd.f32 v6, v3;
	v6 =	vld [tilespmem:s22+$0x20]  }
0x32: {  	[tilespmem:s22+$0xFFFFFFB0] =	vst v5;
	v5 =	vadd.f32 v7, v2;
	v7 =	vld [tilespmem:s22+$0x30]  }
0x33: {  	[tilespmem:s22+$0xFFFFFFC0] =	vst v4;
	v4 =	vadd.f32 v8, v1;
	v8 =	vld [tilespmem:s22+$0x40]  }
0x34: {  	[tilespmem:s22+$0xFFFFFFD0] =	vst v5;
	v5 =	vadd.f32 v9, v3;
	v9 =	vld [tilespmem:s22+$0x50]  }
0x35: {  	[tilespmem:s22+$0xFFFFFFE0] =	vst v4;
	v4 =	vadd.f32 v10, v2;
	v10 =	vld [tilespmem:s22+$0x60]  }
0x36: {  	[tilespmem:s22+$0x0] =	vst v5;
	v5 =	vadd.f32 v6, v1;
	v6 =	vld [tilespmem:s22+$0x70]  }
0x37: {  	[tilespmem:s22+$0x10] =	vst v4;
	v4 =	vadd.f32 v7, v0;
	v7 =	vld [tilespmem:s22+$0x80]  }
0x38: {  	[tilespmem:s22+$0x20] =	vst v5;
	v5 =	vadd.f32 v8, v3;
	v8 =	vld [tilespmem:s22+$0x90]  }
0x39: {  	[tilespmem:s22+$0x30] =	vst v4;
	v4 =	vadd.f32 v9, v2;
	v9 =	vld [tilespmem:s22+$0xA0]  }
0x3a: {  	[tilespmem:s22+$0x40] =	vst v5;
	v5 =	vadd.f32 v10, v1;
	v10 =	vld [tilespmem:s22+$0xB0]  }
0x3b: {  	[tilespmem:s22+$0x50] =	vst v4;
	v6 =	vadd.f32 v6, v0;
	v4 =	vld [tilespmem:s22+$0xC0]  }
0x3c: {  	[tilespmem:s22+$0x60] =	vst v5;
	v7 =	vadd.f32 v7, v3;
	v5 =	vld [tilespmem:s22+$0xD0]  }
0x3d: {  	[tilespmem:s22+$0x70] =	vst v6;
	v11 =	vadd.f32 v8, v2;
	v6 =	vld [tilespmem:s22+$0xE0]  }
0x3e: {  	[tilespmem:s22+$0x80] =	vst v7;
	v7 =	vld [tilespmem:s22+$0xF0];
	v9 =	vadd.f32 v9, v1  }
0x3f: {  	s23 =	simm.s32 $0x0;
	s24 =	simm.s32 $0x9900;
	v8 =	vld [tilespmem:s22+$0xFFFFFFF0];
	[tilespmem:s22+$0x90] =	vst v11;
	v10 =	vadd.f32 v10, v0  }
.LBB2_3:
0x40: {  	v11 =	vld [tilespmem:s24+$0xFFFFFF00];
	[tilespmem:s22+$0xA0] =	vst v9;
	v4 =	vadd.f32 v4, v3  }
0x41: {  	v9 =	vld [tilespmem:s24+$0xFFFFFF10];
	[tilespmem:s22+$0xB0] =	vst v10;
	v5 =	vadd.f32 v5, v2  }
0x42: {  	v10 =	vld [tilespmem:s24+$0xFFFFFF20];
	[tilespmem:s22+$0xC0] =	vst v4;
	v4 =	vadd.f32 v6, v1  }
0x43: {  	v6 =	vld [tilespmem:s24+$0xFFFFFF30];
	[tilespmem:s22+$0xD0] =	vst v5;
	v5 =	vadd.f32 v7, v0  }
0x44: {  	v7 =	vld [tilespmem:s24+$0xFFFFFF40];
	v8 =	vadd.f32 v8, v0;
	[tilespmem:s22+$0xE0] =	vst v4  }
0x45: {  	v4 =	vadd.f32 v11, v3;
	v11 =	vld [tilespmem:s24+$0xFFFFFF50];
	[tilespmem:s22+$0xF0] =	vst v5  }
0x46: {  	v5 =	vadd.f32 v9, v2;
	v9 =	vld [tilespmem:s24+$0xFFFFFF60];
	[tilespmem:s22+$0xFFFFFFF0] =	vst v8;
	s22 =	smov.u32 s24  }
0x47: {  	[tilespmem:s24+$0xFFFFFF00] =	vst v4;
	v4 =	vadd.f32 v10, v1;
	v8 =	vld [tilespmem:s24+$0xFFFFFF70]  }
0x48: {  	[tilespmem:s24+$0xFFFFFF10] =	vst v5;
	v5 =	vadd.f32 v6, v0;
	v6 =	vld [tilespmem:s24+$0xFFFFFF80]  }
0x49: {  	[tilespmem:s24+$0xFFFFFF20] =	vst v4;
	v4 =	vadd.f32 v7, v3;
	v7 =	vld [tilespmem:s24+$0xFFFFFF90]  }
0x4a: {  	[tilespmem:s24+$0xFFFFFF30] =	vst v5;
	v5 =	vadd.f32 v11, v2;
	v10 =	vld [tilespmem:s24+$0xFFFFFFA0]  }
0x4b: {  	[tilespmem:s24+$0xFFFFFF40] =	vst v4;
	v4 =	vadd.f32 v9, v1;
	v9 =	vld [tilespmem:s24+$0xFFFFFFB0]  }
0x4c: {  	[tilespmem:s24+$0xFFFFFF50] =	vst v5;
	v5 =	vadd.f32 v8, v0;
	v8 =	vld [tilespmem:s24+$0xFFFFFFC0]  }
0x4d: {  	[tilespmem:s24+$0xFFFFFF60] =	vst v4;
	v4 =	vadd.f32 v6, v3;
	v6 =	vld [tilespmem:s24+$0xFFFFFFD0]  }
0x4e: {  	[tilespmem:s24+$0xFFFFFF70] =	vst v5;
	v5 =	vadd.f32 v7, v2;
	v7 =	vld [tilespmem:s24+$0xFFFFFFE0]  }
0x4f: {  	[tilespmem:s24+$0xFFFFFF80] =	vst v4;
	v4 =	vadd.f32 v10, v1;
	v10 =	vld [tilespmem:s24+$0x0]  }
0x50: {  	[tilespmem:s24+$0xFFFFFF90] =	vst v5;
	v5 =	vadd.f32 v9, v0;
	v9 =	vld [tilespmem:s24+$0x10]  }
0x51: {  	[tilespmem:s24+$0xFFFFFFA0] =	vst v4;
	v4 =	vadd.f32 v8, v3;
	v8 =	vld [tilespmem:s24+$0x20]  }
0x52: {  	[tilespmem:s24+$0xFFFFFFB0] =	vst v5;
	v5 =	vadd.f32 v6, v2;
	v6 =	vld [tilespmem:s24+$0x30]  }
0x53: {  	[tilespmem:s24+$0xFFFFFFC0] =	vst v4;
	v4 =	vadd.f32 v7, v1;
	v7 =	vld [tilespmem:s24+$0x40]  }
0x54: {  	[tilespmem:s24+$0xFFFFFFD0] =	vst v5;
	v5 =	vadd.f32 v10, v3;
	v10 =	vld [tilespmem:s24+$0x50]  }
0x55: {  	[tilespmem:s24+$0xFFFFFFE0] =	vst v4;
	v4 =	vadd.f32 v9, v2;
	v9 =	vld [tilespmem:s24+$0x60]  }
0x56: {  	[tilespmem:s24+$0x0] =	vst v5;
	v5 =	vadd.f32 v8, v1;
	v8 =	vld [tilespmem:s24+$0x70]  }
0x57: {  	[tilespmem:s24+$0x10] =	vst v4;
	v4 =	vadd.f32 v6, v0;
	v6 =	vld [tilespmem:s24+$0x80]  }
0x58: {  	[tilespmem:s24+$0x20] =	vst v5;
	v5 =	vadd.f32 v7, v3;
	v7 =	vld [tilespmem:s24+$0x90]  }
0x59: {  	s23 =	sadd.s32 $0x8, s23;
	[tilespmem:s24+$0x30] =	vst v4;
	v4 =	vadd.f32 v10, v2;
	v10 =	vld [tilespmem:s24+$0xA0]  }
0x5a: {  	p0 =	slt.u32 s23, $0x78;
	[tilespmem:s24+$0x40] =	vst v5;
	v5 =	vadd.f32 v9, v1;
	v11 =	vld [tilespmem:s24+$0xB0]  }
.Ltmp0:
0x5b: {  	[tilespmem:s24+$0x50] =	vst v4;
	v8 =	vadd.f32 v8, v0;
	v4 =	vld [tilespmem:s24+$0xC0];
	(pc) =	sbr.rel @p0 .LBB2_3-.Ltmp0, $4  }
0x5c: {  	[tilespmem:s24+$0x60] =	vst v5;
	v9 =	vadd.f32 v6, v3;
	v5 =	vld [tilespmem:s24+$0xD0]  }
0x5d: {  	[tilespmem:s24+$0x70] =	vst v8;
	v12 =	vadd.f32 v7, v2;
	v6 =	vld [tilespmem:s24+$0xE0]  }
0x5e: {  	[tilespmem:s24+$0x80] =	vst v9;
	v9 =	vadd.f32 v10, v1;
	v7 =	vld [tilespmem:s24+$0xF0]  }
0x5f: {  	s24 =	sadd.s32 $0x200, s24;
	v8 =	vld [tilespmem:s22+$0xFFFFFFF0];
	[tilespmem:s22+$0x90] =	vst v12;
	v10 =	vadd.f32 v11, v0  }
0x60: {  	[tilespmem:s22+$0xA0] =	vst v9;
	v3 =	vadd.f32 v4, v3  }
0x61: {  	[tilespmem:s22+$0xB0] =	vst v10;
	v2 =	vadd.f32 v5, v2  }
0x62: {  	[tilespmem:s22+$0xC0] =	vst v3;
	v1 =	vadd.f32 v6, v1  }
0x63: {  	[tilespmem:s22+$0xD0] =	vst v2;
	v2 =	vadd.f32 v7, v0  }
0x64: {  	s21 =	sor.u32 s7, s21;
	v0 =	vadd.f32 v8, v0;
	[tilespmem:s22+$0xE0] =	vst v1  }
0x65: {  	s21 =	sshrl.u32 s21, $0x3;
	[tilespmem:s22+$0xF0] =	vst v2  }
0x66: {  	s21 =	sadd.s32 s2, s21;
	[tilespmem:s22+$0xFFFFFFF0] =	vst v0  }
0x67: {  	[hbm4b:s21+s15] =	stream.strided.scatter [tilespmem:s12], [sflag:$0x2], $0x2000, s16, s15, $0x38;
	[tilespmem:$0xD600] =	vst v63  }
0x68: {  	_ =	swait.ge [sflag:s13], $0x2000  }
0x69: {  	[sflag:s13] =	ssyncset.done $0x0  }
0x6a: {  	p0 =	seq.s32 s19, $0x63;
	[sflag:s13] =	ssyncadd.s32 $0xFFFFE000  }
0x6b: {  	s20 =	sshll.u32 s20, $0x6;
	s21 =	sshll.u32 @!p0 s19, $0x8;
	_ =	swait.ge [sflag:s17], $0x2000  }
0x6c: {  	s23 =	simm.s32 @!p0 $0x9600;
	s21 =	sand.u32 @!p0 $0x3FFFFF00, s21;
	[sflag:s17] =	ssyncset.done $0x0  }
0x6d: {  	s22 =	simm.s32 @!p0 $0x80;
	s21 =	sadd.s32 @!p0 $0x100, s21;
	[sflag:s17] =	ssyncadd.s32 $0xFFFFE000  }
0x6e: {  	[tilespmem:s23], [sflag:$0x1] =	stream.indirect.gather @!p0 [hbm4b:s4+s22], $0x40, s21, s22, $0xb8;
	[tilespmem:$0xD600] =	vst v63  }
0x6f: {  	v3 =	vld [tilespmem:s20+$0x6400]  }
0x70: {  	v2 =	vld [tilespmem:s20+$0x6410]  }
0x71: {  	v1 =	vld [tilespmem:s20+$0x6420]  }
0x72: {  	s21 =	simm.s32 $0xB700;
	v0 =	vld [tilespmem:s20+$0x6430]  }
0x73: {  	v4 =	vld [tilespmem:s21+$0xFFFFFF00]  }
0x74: {  	v5 =	vld [tilespmem:s21+$0xFFFFFF10]  }
0x75: {  	v6 =	vld [tilespmem:s21+$0xFFFFFF20]  }
0x76: {  	v7 =	vld [tilespmem:s21+$0xFFFFFF30]  }
0x77: {  	v8 =	vld [tilespmem:s21+$0xFFFFFF40]  }
0x78: {  	v9 =	vld [tilespmem:s21+$0xFFFFFF50];
	v4 =	vadd.f32 v4, v3  }
0x79: {  	v10 =	vld [tilespmem:s21+$0xFFFFFF60];
	v5 =	vadd.f32 v5, v2  }
0x7a: {  	[tilespmem:s21+$0xFFFFFF00] =	vst v4;
	v4 =	vadd.f32 v6, v1;
	v6 =	vld [tilespmem:s21+$0xFFFFFF70]  }
0x7b: {  	[tilespmem:s21+$0xFFFFFF10] =	vst v5;
	v5 =	vadd.f32 v7, v0;
	v7 =	vld [tilespmem:s21+$0xFFFFFF80]  }
0x7c: {  	[tilespmem:s21+$0xFFFFFF20] =	vst v4;
	v4 =	vadd.f32 v8, v3;
	v8 =	vld [tilespmem:s21+$0xFFFFFF90]  }
0x7d: {  	[tilespmem:s21+$0xFFFFFF30] =	vst v5;
	v5 =	vadd.f32 v9, v2;
	v9 =	vld [tilespmem:s21+$0xFFFFFFA0]  }
0x7e: {  	[tilespmem:s21+$0xFFFFFF40] =	vst v4;
	v4 =	vadd.f32 v10, v1;
	v10 =	vld [tilespmem:s21+$0xFFFFFFB0]  }
0x7f: {  	[tilespmem:s21+$0xFFFFFF50] =	vst v5;
	v5 =	vadd.f32 v6, v0;
	v6 =	vld [tilespmem:s21+$0xFFFFFFC0]  }
0x80: {  	[tilespmem:s21+$0xFFFFFF60] =	vst v4;
	v4 =	vadd.f32 v7, v3;
	v7 =	vld [tilespmem:s21+$0xFFFFFFD0]  }
0x81: {  	[tilespmem:s21+$0xFFFFFF70] =	vst v5;
	v5 =	vadd.f32 v8, v2;
	v8 =	vld [tilespmem:s21+$0xFFFFFFE0]  }
0x82: {  	[tilespmem:s21+$0xFFFFFF80] =	vst v4;
	v4 =	vadd.f32 v9, v1;
	v9 =	vld [tilespmem:s21+$0x0]  }
0x83: {  	[tilespmem:s21+$0xFFFFFF90] =	vst v5;
	v5 =	vadd.f32 v10, v0;
	v10 =	vld [tilespmem:s21+$0x10]  }
0x84: {  	[tilespmem:s21+$0xFFFFFFA0] =	vst v4;
	v4 =	vadd.f32 v6, v3;
	v6 =	vld [tilespmem:s21+$0x20]  }
0x85: {  	[tilespmem:s21+$0xFFFFFFB0] =	vst v5;
	v5 =	vadd.f32 v7, v2;
	v7 =	vld [tilespmem:s21+$0x30]  }
0x86: {  	[tilespmem:s21+$0xFFFFFFC0] =	vst v4;
	v4 =	vadd.f32 v8, v1;
	v8 =	vld [tilespmem:s21+$0x40]  }
0x87: {  	[tilespmem:s21+$0xFFFFFFD0] =	vst v5;
	v5 =	vadd.f32 v9, v3;
	v9 =	vld [tilespmem:s21+$0x50]  }
0x88: {  	[tilespmem:s21+$0xFFFFFFE0] =	vst v4;
	v4 =	vadd.f32 v10, v2;
	v10 =	vld [tilespmem:s21+$0x60]  }
0x89: {  	[tilespmem:s21+$0x0] =	vst v5;
	v5 =	vadd.f32 v6, v1;
	v6 =	vld [tilespmem:s21+$0x70]  }
0x8a: {  	[tilespmem:s21+$0x10] =	vst v4;
	v4 =	vadd.f32 v7, v0;
	v7 =	vld [tilespmem:s21+$0x80]  }
0x8b: {  	[tilespmem:s21+$0x20] =	vst v5;
	v5 =	vadd.f32 v8, v3;
	v8 =	vld [tilespmem:s21+$0x90]  }
0x8c: {  	[tilespmem:s21+$0x30] =	vst v4;
	v4 =	vadd.f32 v9, v2;
	v9 =	vld [tilespmem:s21+$0xA0]  }
0x8d: {  	[tilespmem:s21+$0x40] =	vst v5;
	v5 =	vadd.f32 v10, v1;
	v10 =	vld [tilespmem:s21+$0xB0]  }
0x8e: {  	[tilespmem:s21+$0x50] =	vst v4;
	v6 =	vadd.f32 v6, v0;
	v4 =	vld [tilespmem:s21+$0xC0]  }
0x8f: {  	[tilespmem:s21+$0x60] =	vst v5;
	v7 =	vadd.f32 v7, v3;
	v5 =	vld [tilespmem:s21+$0xD0]  }
0x90: {  	[tilespmem:s21+$0x70] =	vst v6;
	v11 =	vadd.f32 v8, v2;
	v6 =	vld [tilespmem:s21+$0xE0]  }
0x91: {  	[tilespmem:s21+$0x80] =	vst v7;
	v7 =	vld [tilespmem:s21+$0xF0];
	v9 =	vadd.f32 v9, v1  }
0x92: {  	s22 =	simm.s32 $0x0;
	s23 =	simm.s32 $0xB900;
	v8 =	vld [tilespmem:s21+$0xFFFFFFF0];
	[tilespmem:s21+$0x90] =	vst v11;
	v10 =	vadd.f32 v10, v0  }
.LBB2_5:
0x93: {  	v11 =	vld [tilespmem:s23+$0xFFFFFF00];
	[tilespmem:s21+$0xA0] =	vst v9;
	v4 =	vadd.f32 v4, v3  }
0x94: {  	v9 =	vld [tilespmem:s23+$0xFFFFFF10];
	[tilespmem:s21+$0xB0] =	vst v10;
	v5 =	vadd.f32 v5, v2  }
0x95: {  	v10 =	vld [tilespmem:s23+$0xFFFFFF20];
	[tilespmem:s21+$0xC0] =	vst v4;
	v4 =	vadd.f32 v6, v1  }
0x96: {  	v6 =	vld [tilespmem:s23+$0xFFFFFF30];
	[tilespmem:s21+$0xD0] =	vst v5;
	v5 =	vadd.f32 v7, v0  }
0x97: {  	v7 =	vld [tilespmem:s23+$0xFFFFFF40];
	v8 =	vadd.f32 v8, v0;
	[tilespmem:s21+$0xE0] =	vst v4  }
0x98: {  	v4 =	vadd.f32 v11, v3;
	v11 =	vld [tilespmem:s23+$0xFFFFFF50];
	[tilespmem:s21+$0xF0] =	vst v5  }
0x99: {  	v5 =	vadd.f32 v9, v2;
	v9 =	vld [tilespmem:s23+$0xFFFFFF60];
	[tilespmem:s21+$0xFFFFFFF0] =	vst v8;
	s21 =	smov.u32 s23  }
0x9a: {  	[tilespmem:s23+$0xFFFFFF00] =	vst v4;
	v4 =	vadd.f32 v10, v1;
	v8 =	vld [tilespmem:s23+$0xFFFFFF70]  }
0x9b: {  	[tilespmem:s23+$0xFFFFFF10] =	vst v5;
	v5 =	vadd.f32 v6, v0;
	v6 =	vld [tilespmem:s23+$0xFFFFFF80]  }
0x9c: {  	[tilespmem:s23+$0xFFFFFF20] =	vst v4;
	v4 =	vadd.f32 v7, v3;
	v7 =	vld [tilespmem:s23+$0xFFFFFF90]  }
0x9d: {  	[tilespmem:s23+$0xFFFFFF30] =	vst v5;
	v5 =	vadd.f32 v11, v2;
	v10 =	vld [tilespmem:s23+$0xFFFFFFA0]  }
0x9e: {  	[tilespmem:s23+$0xFFFFFF40] =	vst v4;
	v4 =	vadd.f32 v9, v1;
	v9 =	vld [tilespmem:s23+$0xFFFFFFB0]  }
0x9f: {  	[tilespmem:s23+$0xFFFFFF50] =	vst v5;
	v5 =	vadd.f32 v8, v0;
	v8 =	vld [tilespmem:s23+$0xFFFFFFC0]  }
0xa0: {  	[tilespmem:s23+$0xFFFFFF60] =	vst v4;
	v4 =	vadd.f32 v6, v3;
	v6 =	vld [tilespmem:s23+$0xFFFFFFD0]  }
0xa1: {  	[tilespmem:s23+$0xFFFFFF70] =	vst v5;
	v5 =	vadd.f32 v7, v2;
	v7 =	vld [tilespmem:s23+$0xFFFFFFE0]  }
0xa2: {  	[tilespmem:s23+$0xFFFFFF80] =	vst v4;
	v4 =	vadd.f32 v10, v1;
	v10 =	vld [tilespmem:s23+$0x0]  }
0xa3: {  	[tilespmem:s23+$0xFFFFFF90] =	vst v5;
	v5 =	vadd.f32 v9, v0;
	v9 =	vld [tilespmem:s23+$0x10]  }
0xa4: {  	[tilespmem:s23+$0xFFFFFFA0] =	vst v4;
	v4 =	vadd.f32 v8, v3;
	v8 =	vld [tilespmem:s23+$0x20]  }
0xa5: {  	[tilespmem:s23+$0xFFFFFFB0] =	vst v5;
	v5 =	vadd.f32 v6, v2;
	v6 =	vld [tilespmem:s23+$0x30]  }
0xa6: {  	[tilespmem:s23+$0xFFFFFFC0] =	vst v4;
	v4 =	vadd.f32 v7, v1;
	v7 =	vld [tilespmem:s23+$0x40]  }
0xa7: {  	[tilespmem:s23+$0xFFFFFFD0] =	vst v5;
	v5 =	vadd.f32 v10, v3;
	v10 =	vld [tilespmem:s23+$0x50]  }
0xa8: {  	[tilespmem:s23+$0xFFFFFFE0] =	vst v4;
	v4 =	vadd.f32 v9, v2;
	v9 =	vld [tilespmem:s23+$0x60]  }
0xa9: {  	[tilespmem:s23+$0x0] =	vst v5;
	v5 =	vadd.f32 v8, v1;
	v8 =	vld [tilespmem:s23+$0x70]  }
0xaa: {  	[tilespmem:s23+$0x10] =	vst v4;
	v4 =	vadd.f32 v6, v0;
	v6 =	vld [tilespmem:s23+$0x80]  }
0xab: {  	[tilespmem:s23+$0x20] =	vst v5;
	v5 =	vadd.f32 v7, v3;
	v7 =	vld [tilespmem:s23+$0x90]  }
0xac: {  	s22 =	sadd.s32 $0x8, s22;
	[tilespmem:s23+$0x30] =	vst v4;
	v4 =	vadd.f32 v10, v2;
	v10 =	vld [tilespmem:s23+$0xA0]  }
0xad: {  	p0 =	slt.u32 s22, $0x78;
	[tilespmem:s23+$0x40] =	vst v5;
	v5 =	vadd.f32 v9, v1;
	v11 =	vld [tilespmem:s23+$0xB0]  }
.Ltmp1:
0xae: {  	[tilespmem:s23+$0x50] =	vst v4;
	v8 =	vadd.f32 v8, v0;
	v4 =	vld [tilespmem:s23+$0xC0];
	(pc) =	sbr.rel @p0 .LBB2_5-.Ltmp1, $4  }
0xaf: {  	[tilespmem:s23+$0x60] =	vst v5;
	v9 =	vadd.f32 v6, v3;
	v5 =	vld [tilespmem:s23+$0xD0]  }
0xb0: {  	[tilespmem:s23+$0x70] =	vst v8;
	v12 =	vadd.f32 v7, v2;
	v6 =	vld [tilespmem:s23+$0xE0]  }
0xb1: {  	[tilespmem:s23+$0x80] =	vst v9;
	v9 =	vadd.f32 v10, v1;
	v7 =	vld [tilespmem:s23+$0xF0]  }
0xb2: {  	s23 =	sadd.s32 $0x200, s23;
	v8 =	vld [tilespmem:s21+$0xFFFFFFF0];
	[tilespmem:s21+$0x90] =	vst v12;
	v10 =	vadd.f32 v11, v0  }
0xb3: {  	[tilespmem:s21+$0xA0] =	vst v9;
	v3 =	vadd.f32 v4, v3  }
0xb4: {  	s19 =	sadd.s32 $0x1, s19;
	[tilespmem:s21+$0xB0] =	vst v10;
	v2 =	vadd.f32 v5, v2  }
0xb5: {  	p0 =	sne.s32 s19, $0x64;
	[tilespmem:s21+$0xC0] =	vst v3;
	v1 =	vadd.f32 v6, v1  }
.Ltmp2:
0xb6: {  	[tilespmem:s21+$0xD0] =	vst v2;
	v62 =	vadd.f32 v7, v0;
	(pc) =	sbr.rel @p0 .LBB2_2-.Ltmp2, $4  }
0xb7: {  	s20 =	sor.u32 s7, s20;
	v63 =	vadd.f32 v8, v0;
	[tilespmem:s21+$0xE0] =	vst v1  }
0xb8: {  	s20 =	sshrl.u32 s20, $0x3;
	[tilespmem:s21+$0xF0] =	vst v62  }
0xb9: {  	s20 =	sadd.s32 s2, s20;
	[tilespmem:s21+$0xFFFFFFF0] =	vst v63  }
0xba: {  	[hbm4b:s20+s15] =	stream.strided.scatter [tilespmem:s14], [sflag:$0x2], $0x2000, s16, s15, $0x38;
	[tilespmem:$0xD600] =	vst v63  }
0xbb: {  	s18 =	sadd.s32 $0x1, s18  }
0xbc: {  	p0 =	sne.s32 s18, s8  }
.Ltmp3:
0xbd: {  	_ = 	snop;
	(pc) =	sbr.rel @p0 .LBB2_1-.Ltmp3, $4  }
0xbe: {  	_ = 	snop  }
0xbf: {  	_ =	swait.ge [sflag:s17], $0x2000  }
0xc0: {  	[sflag:s17] =	ssyncset.done $0x0  }
0xc1: {  	[sflag:s17] =	ssyncadd.s32 $0xFFFFE000  }
0xc2: {  	_ =	sfence.sel $0x180000  }
0xc3: {  	[bflag:$0x0] =	sbarrier.arrive $0xFFFF  }
0xc4: {  	p0 =	sne.s32 s0, $0x0;
	_ =	strace $0x90000047  }
0xc5: {  	s0 =	sadd.s32 @!p0 $0x100000, s1;
	[bflag:$0x2] =	sbarrier.arrive $0xFFFF  }
0xc6: {  	[sflag:s0] =	ssyncadd.tile.s32 @!p0 $0x1;
	_ =	shalt  }
.Lfunc_end2:
_tile_overlayer_lowered:
.L_overlay_start_2:
0xc7: {  	(tag) =	ssettag $0x2  }
0xc8: {  	s0 =	rddreg [dreg:$0x0];
	s2 =	stileid.u32  }
0xc9: {  	s1 =	rddreg [dreg:$0x1];
	p0 =	sne.s32 s2, $0x0  }
0xca: {  	s3 =	rddreg [dreg:$0x2];
	[bflag:$0x3] =	sbarrier.arrive $0xFFFF;
	s2 =	simm.s32 @!p0 $0x1C03  }
0xcb: {  	[timem:s3], [sflag:s2] =	dma.local @!p0 [hbm:s0], s1  }
0xcc: {  	s0 =	simm.s32 @!p0 $0x3  }
0xcd: {  	_ =	swait.ge @!p0 [sflag:s0], s1  }
0xce: {  	s1 =	ssub.s32 @!p0 $0x0, s1;
	[sflag:s0] =	ssyncset.done @!p0 $0x0  }
0xcf: {  	[sflag:s0] =	ssyncadd.s32 @!p0 s1  }
0xd0: {  	[bflag:$0x3] =	sbarrier.arrive $0xFFFF  }
0xd1: {  	_ =	shalt  }

// kernel: sparse-core-data-format-call.cloned.1.call-start
scs
called_computation_lowered:
.L_overlay_start_0:
0x0: {  	s2 =	sld [smem:$0x3FD9]  }
0x1: {  	s3 =	sld [smem:$0x3FFE];
	_ =	sdelay $0x1  }
0x2: {  	s1 =	srdreg.scid  }
0x3: {  	s0 =	sand.u32 $0x1, s1  }
0x4: {  	s18 =	sshll.u32 s0, $0xA;
	s2 =	sadd.s32 s3, s2  }
0x5: {  	s2 =	sadd.s32 s2, s18  }
0x6: {  	[smem:$0x3FC6] =	sst s2  }
0x7: {  	_ = 	snop  }
0x8: {  	s2 =	sld [smem:$0x3FD0];
	(tm) =	ssettm $0x1  }
0x9: {  	s19 =	sld [smem:$0x3FFB];
	_ =	sdelay $0x3  }
0xa: {  	_ =	strace s19  }
0xb: {  	s3 =	sld [smem:$0x3FFC];
	_ =	sdelay $0x3  }
0xc: {  	_ =	strace s3  }
0xd: {  	s3 =	sld [smem:$0x3FFD];
	_ =	sdelay $0x3  }
0xe: {  	_ =	strace s3  }
0xf: {  	_ =	strace $0x8FFFFFFF  }
0x10: {  	s20 =	sld [smem:$0x3FDB];
	_ =	sdelay $0x1  }
0x11: {  	s4 =	simm.s32 $_scs_section_size  }
0x12: {  	s5 =	simm.s32 $_size__tile_overlayer_lowered;
	s6 =	simm.s32 $_tile_overlayer_lowered  }
0x13: {  	s23 =	simm.s32 $0x1BFF;
	s22 =	sshll.u32 s6, $0x1;
	s3 =	sadd.s32 s4, s20  }
0x14: {  	s7 =	simm.s32 $0x0;
	s21 =	sshll.u32 s5, $0x1;
	s5 =	sadd.s32 s22, s3  }
0x15: {  	[timem:s7], [sflag:s23] =	dma.local [hbm:s5], s21  }
0x16: {  	_ =	swait.ge [sflag:s23], s21  }
0x17: {  	s4 =	ssub.s32 $0x0, s21;
	[sflag:s23] =	ssyncset.done $0x0  }
0x18: {  	[sflag:s23] =	ssyncadd.s32 s4;
	_ =	sdelay $0x1  }
0x19: {  	s24 =	simm.s32 $0x1B8B  }
0x1a: {  	_ =	swait.ge [sflag:s24], $0x1  }
0x1b: {  	[sflag:s24] =	ssyncset.done $0x0  }
0x1c: {  	s26 =	simm.s32 $0x1B8E;
	s25 =	sld [smem:$0x3FFE];
	[sflag:s24] =	ssyncadd.s32 $0xFFFFFFFF  }
0x1d: {  	s27 =	simm.s32 $execute0_lowered;
	[smem:$0x3FD2] =	sst s26  }
0x1e: {  	s5 =	sshll.u32 s27, $0x1;
	_ =	strace $0x80000049;
	[dreg:$0x1] =	wrdreg $0xFFFFFFFF  }
0x1f: {  	s28 =	simm.s32 $_size_execute0_lowered;
	s3 =	sadd.s32 s3, s5;
	[dreg:$0x0] =	wrdreg $0x0  }
0x20: {  	s5 =	sshll.u32 s28, $0x1;
	[dreg:$0x2] =	wrdreg s3  }
0x21: {  	[dreg:$0x3] =	wrdreg s5  }
0x22: {  	[dreg:$0x4] =	wrdreg $0xC0  }
0x23: {  	_ =	task [dreg:s7], $0x5FFFF  }
0x24: {  	[dreg:$0x1] =	wrdreg $0xFFFFFFFF  }
0x25: {  	[dreg:$0x0] =	wrdreg $0x60  }
0x26: {  	[dreg:$0x2] =	wrdreg s25  }
0x27: {  	[dreg:$0x3] =	wrdreg s2  }
0x28: {  	[dreg:$0x4] =	wrdreg $0x9  }
0x29: {  	_ =	task.clear_ibuf [dreg:s7], $0x5FFFF;
	_ =	strace $0x90000049  }
0x2a: {  	s29 =	simm.s32 $0x9;
	_ =	strace $0x8000004B  }
0x2b: {  	_ =	swait.ge [sflag:s29], $0x1  }
0x2c: {  	[sflag:s29] =	ssyncadd.s32 $0xFFFFFFFF  }
0x2d: {  	_ =	strace $0x9000004B  }
0x2e: {  	_ =	sfence  }
0x2f: {  	s30 =	sld [smem:$0x0];
	_ =	sdelay $0x2  }
0x30: {  	s31 =	sshll.u32 s1, $0xD;
	s1 =	sshrl.u32 s1, $0x2  }
0x31: {  	s3 =	sand.u32 $0x4000, s31;
	s1 =	sadd.s32 s1, s30  }
0x32: {  	s0 =	sor.u32 s3, s0;
	s1 =	sshll.u32 s1, $0x11  }
0x33: {  	s0 =	sor.u32 s1, s0  }
0x34: {  	s0 =	sadd.s32 $0x8F2B, s0  }
0x35: {  	[sflag:s0] =	ssyncadd.remote.s32 $0x1  }
0x36: {  	_ =	sfence.sel $0xFFFF  }
0x37: {  	[dreg:$0x0] =	wrdreg $0xFFFFFFFF;
	(pc) =	sbr.abs _section_cstart, $3  }
0x38: {  	[dreg:$0x1] =	wrdreg $0xFFFFFFFF  }
0x39: {  	_ =	task.clear_ibuf [dreg:s7], $0x2FFFF;
	_ =	strace $0x9FFFFFFF  }
0x3a: {  	(tm) =	ssettm $0x7FFFFFFF  }
0x3b: {  	_ =	shalt  }
tec
execute0_lowered:
.L_overlay_start_1:
0x0: {  	(tag) =	ssettag $0x1  }
0x1: {  	s0 =	srdreg.scid  }
0x2: {  	s1 =	sshll.u32 s0, $0x4  }
0x3: {  	s0 =	stileid.u32;
	s1 =	sand.u32 $0x10, s1  }
0x4: {  	s1 =	sor.u32 s0, s1  }
0x5: {  	s6 =	rddreg [dreg:$0x0];
	s4 =	simm.s32 $0x1;
	s2 =	sshll.u32 s1, $0x7  }
0x6: {  	s7 =	simm.s32 $0x2;
	s12 =	simm.s32 $0x0;
	s1 =	ssub.s32 $0x1000, s2  }
0x7: {  	s8 =	simm.s32 $0x8000;
	s13 =	simm.s32 $0x0;
	s3 =	sand.u32 $0xF80, s1  }
0x8: {  	s9 =	simm.s32 $0x0;
	s5 =	sshrl.u32 s1, $0xC;
	p0 =	sne.s32 s3, $0x0  }
.Ltmp0:
0x9: {  	s1 =	rddreg [dreg:$0x2];
	s4 =	simm.s32 @!p0 $0x0;
	(pc) =	sbr.rel .LBB1_1-.Ltmp0, $4  }
0xa: {  	s11 =	simm.s32 $0x0;
	s3 =	rddreg [dreg:$0x1];
	s5 =	sadd.s32 s4, s5  }
0xb: {  	_ =	strace $0x8000004A;
	s4 =	simm.s32 $0x1;
	s5 =	smul.u32 $0xC8, s5  }
0xc: {  	s6 =	sadd.s32 $0x400, s6;
	s10 =	smov.u32 s2;
	[sflag:s4] =	ssyncpa.u1 $0x0  }
0xd: {  	p0 =	por $0x0, $0x0;
	[sflag:s7] =	ssyncpa.u1 $0x0;
	s7 =	sor.u32 $0x1, s5  }
.LBB1_4:
0xe: {  	s16 =	sshll.u32 s13, $0x3;
	s17 =	sand.u32 $0x78, s13  }
0xf: {  	s30 =	sand.u32 $0x7E00, s13;
	s12 =	sshll.u32 s12, $0xF;
	s16 =	sand.u32 $0xC00, s16  }
0x10: {  	[tilespmem:s15+$0x810 ss:$0x81] =	vst.msk $0xffff, v2;
	s31 =	sand.u32 $0x7, s13;
	s16 =	sor.u32 s17, s16;
	s17 =	sadd.s32 s3, s30  }
0x11: {  	[tilespmem:s15+$0x1020 ss:$0x81] =	vst.msk $0xffff, v0;
	s13 =	sshll.u32 s31, $0x12;
	s12 =	sadd.s32 s12, s17;
	s16 =	sshrl.u32 s16, $0x3  }
0x12: {  	[tilespmem:s15+$0x0 ss:$0x81] =	vst.msk $0xffff, v1;
	s13 =	sor.u32 $0x400, s13;
	s12 =	sadd.s32 s16, s12  }
0x13: {  	[hbm4b:s12+s13] =	stream.strided.scatter [tilespmem:s14], [sflag:$0x2], $0x2000, s8, s13, $0x20;
	[tilespmem:$0x8080] =	vst v63  }
.LBB1_5:
0x14: {  	s14 =	sadd.s32 $0x1, s9  }
0x15: {  	s12 =	sadd.s32 $0x1000, s10;
	s16 =	smov.u32 s10;
	p2 =	sgt.s32 s14, $0xC7  }
0x16: {  	s16 =	smov.u32 @p2 s12  }
0x17: {  	s14 =	simm.s32 @p2 $0x0;
	p2 =	sgt.s32 s16, $0xFFF  }
0x18: {  	s16 =	smov.u32 @p2 s2;
	p2 =	sne.s32 s11, s7  }
.Ltmp1:
0x19: {  	p1 =	slt.u32 s11, $0x2;
	(pc) =	sbr.rel @!p2 .LBB1_6-.Ltmp1, $4  }
0x1a: {  	s15 =	simm.s32 @!p1 $0x2  }
0x1b: {  	s13 =	smov.u32 s10;
	p0 =	por !p0, !p0;
	_ =	swait.ge @!p1 [sflag:s15], $0x2000  }
0x1c: {  	s12 =	smov.u32 s9;
	[sflag:s15] =	ssyncset.done @!p1 $0x0;
	s9 =	smov.u32 s14  }
0x1d: {  	s11 =	sadd.s32 $0x1, s11;
	[sflag:s15] =	ssyncadd.s32 @!p1 $0xFFFFE000;
	s10 =	smov.u32 s16  }
.LBB1_1:
0x1e: {  	p1 =	sge.u32 s11, s5  }
0x1f: {  	s14 =	sand.u32 @!p1 $0x1FFFFFF, s9  }
0x20: {  	s15 =	smulhi.u32 @!p1 $0x147AE15, s14;
	_ =	sdelay $0x1  }
0x21: {  	s15 =	smul.u32 @!p1 $0xC8, s15  }
0x22: {  	s16 =	sxor.u32 @!p1 $0xFFFFFFFF, s11;
	s17 =	smul.u32 @!p1 $0xC80, s10  }
0x23: {  	s31 =	sadd.s32 $0xFFFFFFFF, s11;
	s16 =	sshll.u32 @!p1 s16, $0xD;
	s14 =	ssub.s32 @!p1 s14, s15  }
0x24: {  	s15 =	sand.u32 @!p1 $0x2000, s16;
	s16 =	sadd.s32 @!p1 s6, s17;
	s14 =	sshll.u32 @!p1 s14, $0x4  }
0x25: {  	s17 =	simm.s32 @!p1 $0x6400;
	s14 =	sadd.s32 @!p1 s14, s16;
	s16 =	simm.s32 @!p1 $0x40  }
0x26: {  	[tilespmem:s15], [sflag:$0x1] =	stream.strided.gather @!p1 [hbm4b:s14+s16], $0x2000, s17, s16, $0x38;
	[tilespmem:$0x8080] =	vst v63  }
0x27: {  	p1 =	sge.u32 s31, s5  }
.Ltmp2:
0x28: {  	_ = 	snop;
	(pc) =	sbr.rel @p1 .LBB1_5-.Ltmp2, $1  }
0x29: {  	_ =	sdelay $0x3  }
0x2a: {  	s14 =	simm.s32 $0x1  }
0x2b: {  	_ =	swait.ge [sflag:s4], $0x2000;
	s14 =	simm.s32 @!p0 $0x0  }
0x2c: {  	[sflag:s4] =	ssyncset.done $0x0;
	s15 =	sshll.u32 s14, $0xD  }
0x2d: {  	[sflag:s4] =	ssyncadd.s32 $0xFFFFE000;
	s18 =	sor.u32 $0x20, s15  }
0x2e: {  	s14 =	smul.u32 $0x8100, s14;
	v3 =	vld [tilespmem:s18+$0x10]  }
0x2f: {  	s30 =	sand.u32 $0x1, s11;
	v2 =	vld [tilespmem:s18+$0xFFFFFFF0]  }
0x30: {  	s15 =	smul.u32 $0x8100, s30;
	s14 =	sshrl.u32 s14, $0x2;
	v0 =	vld [tilespmem:s18+$0x0]  }
0x31: {  	v1 =	vld [tilespmem:s18+$0xFFFFFFE0];
	s16 =	sor.u32 $0x4000, s14  }
0x32: {  	s31 =	sshrl.u32 s15, $0x2;
	s15 =	sadd.s32 $0x0, s16  }
0x33: {  	s17 =	simm.s32 $0x4;
	s18 =	sadd.s32 $0x40, s18;
	s14 =	sor.u32 $0x4000, s31;
	[tilespmem:s15+$0x1830 ss:$0x81] =	vst.msk $0xffff, v3  }
.LBB1_3:
0x34: {  	v3 =	vld [tilespmem:s18+$0x10];
	p1 =	sne.s32 s17, $0x1FC;
	[tilespmem:s15+$0x810 ss:$0x81] =	vst.msk $0xffff, v2;
	s19 =	smov.u32 s17;
	s17 =	sadd.s32 $0x4, s17  }
.Ltmp3:
0x35: {  	v2 =	vld [tilespmem:s18+$0xFFFFFFF0];
	[tilespmem:s15+$0x1020 ss:$0x81] =	vst.msk $0xffff, v0;
	(pc) =	sbr.rel @p1 .LBB1_3-.Ltmp3, $4  }
0x36: {  	v0 =	vld [tilespmem:s18+$0x0];
	[tilespmem:s15+$0x0 ss:$0x81] =	vst.msk $0xffff, v1  }
0x37: {  	s15 =	sshra.s32 s19, $0x2;
	v1 =	vld [tilespmem:s18+$0xFFFFFFE0]  }
0x38: {  	s15 =	sadd.s32 s15, s16  }
0x39: {  	s18 =	sadd.s32 $0x40, s18;
	[tilespmem:s15+$0x1830 ss:$0x81] =	vst.msk $0xffff, v3  }
.Ltmp4:
0x3a: {  	_ = 	snop;
	(pc) =	sbr.rel .LBB1_4-.Ltmp4, $1  }
0x3b: {  	_ =	sdelay $0x3  }
.LBB1_6:
0x3c: {  	_ =	sfence.sel $0x180000  }
0x3d: {  	s2 =	simm.s32 $0x1;
	[bflag:$0x0] =	sbarrier.arrive $0xFFFF  }
0x3e: {  	s31 =	simm.s32 $0x2;
	[sflag:s2] =	ssyncpa.u1 $0x1  }
0x3f: {  	[sflag:s31] =	ssyncpa.u1 $0x1  }
0x40: {  	p0 =	sne.s32 s0, $0x0;
	_ =	strace $0x9000004A  }
0x41: {  	s0 =	sadd.s32 @!p0 $0x100000, s1;
	[bflag:$0x2] =	sbarrier.arrive $0xFFFF  }
0x42: {  	[sflag:s0] =	ssyncadd.tile.s32 @!p0 $0x1;
	_ =	shalt  }
.Lfunc_end1:
_tile_overlayer_lowered:
.L_overlay_start_2:
0x43: {  	(tag) =	ssettag $0x2  }
0x44: {  	s0 =	rddreg [dreg:$0x0];
	s2 =	stileid.u32  }
0x45: {  	s1 =	rddreg [dreg:$0x1];
	p0 =	sne.s32 s2, $0x0  }
0x46: {  	s3 =	rddreg [dreg:$0x2];
	[bflag:$0x3] =	sbarrier.arrive $0xFFFF;
	s2 =	simm.s32 @!p0 $0x1C01  }
0x47: {  	[timem:s3], [sflag:s2] =	dma.local @!p0 [hbm:s0], s1  }
0x48: {  	s0 =	simm.s32 @!p0 $0x1  }
0x49: {  	_ =	swait.ge @!p0 [sflag:s0], s1  }
0x4a: {  	s1 =	ssub.s32 @!p0 $0x0, s1;
	[sflag:s0] =	ssyncset.done @!p0 $0x0  }
0x4b: {  	[sflag:s0] =	ssyncadd.s32 @!p0 s1  }
0x4c: {  	[bflag:$0x3] =	sbarrier.arrive $0xFFFF  }
0x4d: {  	_ =	shalt  }

</sc_bundles>
